<compile_context>
chip_gen: v7x
topology: tpu7x:2x2x1
jax: 0.10.2.dev20260603
libtpu: 0.0.44.dev20260713+nightly
codegen_flags: <defaults>
</compile_context>

<pallas_src>
import functools

import jax
import jax.numpy as jnp
from jax import lax
from jax.experimental import pallas as pl
from jax.experimental.pallas import tpu as pltpu
from jax.experimental.pallas import tpu_sc as plsc

N = 50000
E = 800000
CH = 16
MAX_VALUE = 1000000.0

NC = 2
NS = 16
NWORK = NC * NS

IPW = 2 * E // NWORK
GCH = 2000
GITERS = IPW // GCH

EPS = E // NS
SCH = 2000
SITERS = EPS // SCH
STRIPE = 3200
STRIPE_LAST = N - 15 * STRIPE


def _silu(x):
    return x * (1.0 / (1.0 + jnp.exp(-x)))


def _soft_clamp(x):
    return MAX_VALUE * jnp.tanh(x * (1.0 / MAX_VALUE))


def _sc_gather(table, idx_flat):
    mesh = plsc.VectorSubcoreMesh(core_axis_name="c", subcore_axis_name="s")

    @functools.partial(
        pl.kernel,
        out_type=jax.ShapeDtypeStruct((2 * E, CH), jnp.float32),
        mesh=mesh,
        scratch_types=[
            pltpu.VMEM((GCH,), jnp.int32),
            pltpu.VMEM((GCH, CH), jnp.float32),
            pltpu.SemaphoreType.DMA,
        ],
        compiler_params=pltpu.CompilerParams(use_tc_tiling_on_sc=False),
    )
    def kern(table_hbm, idx_hbm, out_hbm, idx_v, rows_v, sem):
        c = lax.axis_index("c")
        s = lax.axis_index("s")
        wid = c * NS + s

        @pl.loop(0, GITERS)
        def _(g):
            base = wid * IPW + g * GCH
            pltpu.sync_copy(idx_hbm.at[pl.ds(base, GCH)], idx_v)
            pltpu.async_copy(table_hbm.at[idx_v], rows_v, sem).wait()
            pltpu.sync_copy(rows_v, out_hbm.at[pl.ds(base, GCH)])

    return kern(table, idx_flat)


def _sc_scatter(m_a, m_b, idx_flat, zeros_stripe):
    mesh = plsc.VectorSubcoreMesh(core_axis_name="c", subcore_axis_name="s")

    @functools.partial(
        pl.kernel,
        out_type=jax.ShapeDtypeStruct((2, N, CH), jnp.float32),
        mesh=mesh,
        scratch_types=[
            pltpu.VMEM((SCH,), jnp.int32),
            pltpu.VMEM((SCH, CH), jnp.float32),
            pltpu.VMEM_SHARED((N, CH), jnp.float32),
        ],
        compiler_params=pltpu.CompilerParams(use_tc_tiling_on_sc=False),
    )
    def kern(ma_hbm, mb_hbm, idx_hbm, z_hbm, out_hbm, idx_v, rows_v, acc):
        c = lax.axis_index("c")
        s = lax.axis_index("s")

        @pl.when(s < NS - 1)
        def _():
            pltpu.sync_copy(z_hbm, acc.at[pl.ds(s * STRIPE, STRIPE)])

        @pl.when(s == NS - 1)
        def _():
            pltpu.sync_copy(z_hbm.at[pl.ds(0, STRIPE_LAST)],
                            acc.at[pl.ds(s * STRIPE, STRIPE_LAST)])

        plsc.subcore_barrier()

        @pl.when(c == 0)
        def _():
            @pl.loop(0, SITERS)
            def _(g):
                base = s * EPS + g * SCH
                pltpu.sync_copy(idx_hbm.at[pl.ds(base, SCH)], idx_v)
                pltpu.sync_copy(ma_hbm.at[pl.ds(base, SCH)], rows_v)
                pltpu.sync_copy(rows_v, acc.at[idx_v], add=True)

        @pl.when(c == 1)
        def _():
            @pl.loop(0, SITERS)
            def _(g):
                base = s * EPS + g * SCH
                pltpu.sync_copy(idx_hbm.at[pl.ds(E + base, SCH)], idx_v)
                pltpu.sync_copy(mb_hbm.at[pl.ds(base, SCH)], rows_v)
                pltpu.sync_copy(rows_v, acc.at[idx_v], add=True)

        plsc.subcore_barrier()

        @pl.when(s < NS - 1)
        def _():
            pltpu.sync_copy(acc.at[pl.ds(s * STRIPE, STRIPE)],
                            out_hbm.at[c, pl.ds(s * STRIPE, STRIPE)])

        @pl.when(s == NS - 1)
        def _():
            pltpu.sync_copy(acc.at[pl.ds(s * STRIPE, STRIPE_LAST)],
                            out_hbm.at[c, pl.ds(s * STRIPE, STRIPE_LAST)])

    return kern(m_a, m_b, idx_flat, zeros_stripe)


EBLK = 16000
EROWS = EBLK // 8


def _lane_split(m, j0):
    return jnp.concatenate([m[:, 48 * j + j0:48 * j + j0 + CH]
                            for j in range(8)], axis=1)


def _edge_body(gs, gd, e, w1a, w1b, w1c, b1, w2, b2, w3, b3, ma, mb, ne):
    x = e[...].reshape(EROWS, 128)
    gsv = gs[...].reshape(EROWS, 128)
    gdv = gd[...].reshape(EROWS, 128)
    h = (jnp.dot(gsv, w1a[...], preferred_element_type=jnp.float32)
         + jnp.dot(gdv, w1b[...], preferred_element_type=jnp.float32)
         + jnp.dot(x, w1c[...], preferred_element_type=jnp.float32)
         + b1[...])
    h = _silu(h)
    h2 = _silu(jnp.dot(h, w2[...], preferred_element_type=jnp.float32)
               + b2[...])
    m = jnp.dot(h2, w3[...], preferred_element_type=jnp.float32) + b3[...]
    ma[...] = m[:, :128].reshape(EBLK * CH)
    mb[...] = m[:, 128:256].reshape(EBLK * CH)
    ne[...] = (x + m[:, 256:384]).reshape(EBLK * CH)


def _tc_edge(gathered_p, edges_p, mW1, mb1, mW2, mb2, mW3, mb3):
    grid = E // EBLK
    full = lambda shp: pl.BlockSpec(shp, lambda i: tuple(0 for _ in shp))
    eye8 = jnp.eye(8, dtype=jnp.float32)
    kr = lambda w: jnp.kron(eye8, w)
    perm = jnp.asarray([(o % 128) // CH * 48 + (o // 128) * CH + o % CH
                        for o in range(384)], dtype=jnp.int32)
    w3p = kr(mW3)[:, perm]
    b3p = jnp.tile(mb3, 8).reshape(1, 384)[:, perm]
    return pl.pallas_call(
        _edge_body,
        grid=(grid,),
        in_specs=[
            pl.BlockSpec((EBLK * CH,), lambda i: (i,)),
            pl.BlockSpec((EBLK * CH,), lambda i: (i + E // EBLK,)),
            pl.BlockSpec((EBLK * CH,), lambda i: (i,)),
            full((128, 512)), full((128, 512)), full((128, 512)), full((1, 512)),
            full((512, 256)), full((1, 256)),
            full((256, 384)), full((1, 384)),
        ],
        out_specs=[
            pl.BlockSpec((EBLK * CH,), lambda i: (i,)),
            pl.BlockSpec((EBLK * CH,), lambda i: (i,)),
            pl.BlockSpec((EBLK * CH,), lambda i: (i,)),
        ],
        out_shape=[
            jax.ShapeDtypeStruct((E * CH,), jnp.float32),
            jax.ShapeDtypeStruct((E * CH,), jnp.float32),
            jax.ShapeDtypeStruct((E * CH,), jnp.float32),
        ],
    )(gathered_p, gathered_p, edges_p,
      kr(mW1[:CH]), kr(mW1[CH:2 * CH]), kr(mW1[2 * CH:]),
      jnp.tile(mb1, 8).reshape(1, 512),
      kr(mW2), jnp.tile(mb2, 8).reshape(1, 256),
      w3p, b3p)


NROWS = N // 8


def _node_body(nd, aa, ab, w1a, w1b, w1c, b1, w2, b2, w3, b3, out):
    x = nd[...]
    h = (jnp.dot(x, w1a[...], preferred_element_type=jnp.float32)
         + jnp.dot(aa[0], w1b[...], preferred_element_type=jnp.float32)
         + jnp.dot(ab[0], w1c[...], preferred_element_type=jnp.float32)
         + b1[...])
    h = _silu(h)
    h = _silu(jnp.dot(h, w2[...], preferred_element_type=jnp.float32) + b2[...])
    upd = jnp.dot(h, w3[...], preferred_element_type=jnp.float32) + b3[...]
    out[...] = _soft_clamp(x + upd)


def _tc_node(nodes_p, agg_p, uW1, ub1, uW2, ub2, uW3, ub3):
    full = lambda shp: pl.BlockSpec(shp, lambda i: tuple(0 for _ in shp))
    eye8 = jnp.eye(8, dtype=jnp.float32)
    kr = lambda w: jnp.kron(eye8, w)
    return pl.pallas_call(
        _node_body,
        grid=(1,),
        in_specs=[
            pl.BlockSpec((NROWS, 128), lambda i: (0, 0)),
            pl.BlockSpec((1, NROWS, 128), lambda i: (0, 0, 0)),
            pl.BlockSpec((1, NROWS, 128), lambda i: (1, 0, 0)),
            full((128, 512)), full((128, 512)), full((128, 512)), full((1, 512)),
            full((512, 256)), full((1, 256)),
            full((256, 128)), full((1, 128)),
        ],
        out_specs=pl.BlockSpec((NROWS, 128), lambda i: (0, 0)),
        out_shape=jax.ShapeDtypeStruct((N // 8, 128), jnp.float32),
    )(nodes_p, agg_p, agg_p,
      kr(uW1[:CH]), kr(uW1[CH:2 * CH]), kr(uW1[2 * CH:]),
      jnp.tile(ub1, 8).reshape(1, 512),
      kr(uW2), jnp.tile(ub2, 8).reshape(1, 256),
      kr(uW3), jnp.tile(ub3, 8).reshape(1, 128))


def kernel(nodes, edges, edge_index, mW1, mb1, mW2, mb2, mW3, mb3,
           uW1, ub1, uW2, ub2, uW3, ub3):
    idx_flat = edge_index.astype(jnp.int32).reshape(2 * E)
    gathered_f = _sc_gather(nodes, idx_flat).reshape(2 * E * CH)
    m_a_f, m_b_f, ne_f = _tc_edge(gathered_f, edges.reshape(E * CH),
                                  mW1, mb1, mW2, mb2, mW3, mb3)
    zeros_stripe = jnp.zeros((STRIPE, CH), jnp.float32)
    agg = _sc_scatter(m_a_f.reshape(E, CH), m_b_f.reshape(E, CH),
                      idx_flat, zeros_stripe)
    new_edges = ne_f.reshape(E, CH)
    nodes_p = nodes.reshape(N // 8, 128)
    new_nodes_p = _tc_node(nodes_p, agg.reshape(2, N // 8, 128),
                           uW1, ub1, uW2, ub2, uW3, ub3)
    return (new_nodes_p.reshape(N, CH), new_edges)

# --- scband reference (transcript-rebuilt; emitter-appended) ---
"""Pipeline reference for scband-neural-graph-61503931678807 (READ-ONLY COPY).

The authoritative reference and input builder live on the scoring server;
editing this copy changes nothing except your own understanding.
"""

import jax, jax.numpy as jnp
import numpy as np

N = 50000
E = 800000
CH_N = 16
CH_E = 16
MAX_VALUE = 1000000.0


def _mlp_params(key, dims):
    params = []
    for i in range(len(dims) - 1):
        key, k1 = jax.random.split(key)
        w = jax.random.normal(k1, (dims[i], dims[i + 1]), jnp.float32) / np.sqrt(dims[i])
        b = jnp.zeros((dims[i + 1],), jnp.float32)
        params += [w, b]
    return params


def setup_inputs(seed: int = 0):
    key = jax.random.key(seed)
    k0, k1, k2, k3, k4 = jax.random.split(key, 5)
    nodes = jax.random.normal(k0, (N, CH_N), dtype=jnp.float32)
    edges = jax.random.normal(k1, (E, CH_E), dtype=jnp.float32)
    edge_index = jax.random.randint(k2, (2, E), 0, N)
    msg = _mlp_params(k3, [2 * CH_N + CH_E, 64, 32, 2 * CH_N + CH_E])
    upd = _mlp_params(k4, [3 * CH_N, 64, 32, CH_N])
    inp = {"nodes": nodes, "edges": edges, "edge_index": edge_index}
    inp.update(dict(zip(["mW1", "mb1", "mW2", "mb2", "mW3", "mb3"], msg)))
    inp.update(dict(zip(["uW1", "ub1", "uW2", "ub2", "uW3", "ub3"], upd)))
    return inp


def _soft_clamp(x):
    return MAX_VALUE * jnp.tanh(x / MAX_VALUE)


def reference(nodes, edges, edge_index, mW1, mb1, mW2, mb2, mW3, mb3, uW1, ub1, uW2, ub2, uW3, ub3):
    # One NeuralGraph timestep: per-edge message MLP on (node_src, node_dst, edge),
    # sum-aggregation of node messages, per-node update MLP, residual add + soft clamp.
    src = edge_index[0]
    dst = edge_index[1]
    h = jnp.concatenate([nodes[src], nodes[dst], edges], axis=-1)
    h = jax.nn.silu(h @ mW1 + mb1)
    h = jax.nn.silu(h @ mW2 + mb2)
    m = h @ mW3 + mb3
    m_a = m[:, :CH_N]
    m_b = m[:, CH_N:2 * CH_N]
    m_e = m[:, 2 * CH_N:]
    agg_a = jax.ops.segment_sum(m_a, src, num_segments=N)
    agg_b = jax.ops.segment_sum(m_b, dst, num_segments=N)
    u = jnp.concatenate([nodes, agg_a, agg_b], axis=-1)
    u = jax.nn.silu(u @ uW1 + ub1)
    u = jax.nn.silu(u @ uW2 + ub2)
    upd = u @ uW3 + ub3
    new_nodes = _soft_clamp(nodes + upd)
    new_edges = _soft_clamp(edges + m_e)
    return (new_nodes, new_edges)

if __name__ == "__main__":
    import jax
    _d = setup_inputs()
    print(jax.jit(kernel)(*tuple(_d.values())))

</pallas_src>

<mosaic_0001>
#map = affine_map<(d0, d1) -> (0, 0)>
#map1 = affine_map<(d0, d1) -> (0)>
#map2 = affine_map<(d0, d1) -> (0, 0, 0)>
module attributes {stable_mosaic.version = 14 : i64} {
  func.func @kern(%arg0: i32, %arg1: i32, %arg2: memref<800000x16xf32, #tpu.memory_space<hbm>>, %arg3: memref<800000x16xf32, #tpu.memory_space<hbm>>, %arg4: memref<1600000xi32, #tpu.memory_space<hbm>>, %arg5: memref<3200x16xf32, #tpu.memory_space<hbm>>, %arg6: memref<2x50000x16xf32, #tpu.memory_space<hbm>>, %arg7: memref<2000xi32, #tpu.memory_space<vmem>>, %arg8: memref<2000x16xf32, #tpu.memory_space<vmem>>, %arg9: memref<50000x16xf32, #tpu.memory_space<vmem_shared>>) attributes {dimension_semantics = [#tpu.dimension_semantics<core_parallel>, #tpu.dimension_semantics<subcore_parallel>], iteration_bounds = array<i64: 2, 16>, scalar_prefetch = 0 : i64, scratch_operands = 3 : i64, tpu.core_type = #tpu.core_type<sc_vector_subcore>, window_params = [{transform_indices = #map}, {transform_indices = #map}, {transform_indices = #map1}, {transform_indices = #map}, {transform_indices = #map2}]} {
    %lt3A = arith.constant 15 : i32
    %lt3A_0 = arith.cmpi slt, %arg1, %lt3A : i32
    %convert_element_type3A = arith.extui %lt3A_0 : i1 to i32
    %cond3A = arith.constant 0 : i32
    %cond3A_1 = arith.cmpi ne, %convert_element_type3A, %cond3A : i32
    scf.if %cond3A_1 {
      %mul3A = arith.constant 3200 : i32
      %mul3A_27 = arith.muli %arg1, %mul3A : i32
      "tpu.region"() ({
        %run_scoped3A = tpu.sem_alloc : memref<!tpu.dma_semaphore, #tpu.memory_space<semaphore_mem>>
        %dma_start3A = arith.constant 0 : i32
        %dma_start3A_28 = tpu.memref_slice %arg9[%mul3A_27, %dma_start3A] : memref<50000x16xf32, #tpu.memory_space<vmem_shared>> -> memref<3200x16xf32, #tpu.memory_space<vmem_shared>>
        tpu.enqueue_dma source(%arg5 : memref<3200x16xf32, #tpu.memory_space<hbm>>) target(%dma_start3A_28 : memref<3200x16xf32, #tpu.memory_space<vmem_shared>>) target_semaphore(%run_scoped3A : memref<!tpu.dma_semaphore, #tpu.memory_space<semaphore_mem>>)
        %dma_wait3A = arith.constant 0 : i32
        %dma_wait3A_29 = tpu.memref_slice %arg9[%mul3A_27, %dma_wait3A] : memref<50000x16xf32, #tpu.memory_space<vmem_shared>> -> memref<3200x16xf32, #tpu.memory_space<vmem_shared>>
        tpu.wait_dma2 semaphore(%run_scoped3A : memref<!tpu.dma_semaphore, #tpu.memory_space<semaphore_mem>>) src(%arg5 : memref<3200x16xf32, #tpu.memory_space<hbm>>) dst(%dma_wait3A_29 : memref<3200x16xf32, #tpu.memory_space<vmem_shared>>)
        tpu.yield
      }) : () -> ()
    } else {
    }
    %eq3A = arith.constant 15 : i32
    %eq3A_2 = arith.cmpi eq, %arg1, %eq3A : i32
    %convert_element_type3A_3 = arith.extui %eq3A_2 : i1 to i32
    %cond3A_4 = arith.constant 0 : i32
    %cond3A_5 = arith.cmpi ne, %convert_element_type3A_3, %cond3A_4 : i32
    scf.if %cond3A_5 {
      %mul3A = arith.constant 3200 : i32
      %mul3A_27 = arith.muli %arg1, %mul3A : i32
      "tpu.region"() ({
        %run_scoped3A = tpu.sem_alloc : memref<!tpu.dma_semaphore, #tpu.memory_space<semaphore_mem>>
        %dma_start3A = arith.constant 0 : i32
        %dma_start3A_28 = tpu.memref_slice %arg9[%mul3A_27, %dma_start3A] : memref<50000x16xf32, #tpu.memory_space<vmem_shared>> -> memref<2000x16xf32, #tpu.memory_space<vmem_shared>>
        %dma_start3A_29 = arith.constant 0 : i32
        %dma_start3A_30 = arith.constant 0 : i32
        %dma_start3A_31 = tpu.memref_slice %arg5[%dma_start3A_29, %dma_start3A_30] : memref<3200x16xf32, #tpu.memory_space<hbm>> -> memref<2000x16xf32, #tpu.memory_space<hbm>>
        tpu.enqueue_dma source(%dma_start3A_31 : memref<2000x16xf32, #tpu.memory_space<hbm>>) target(%dma_start3A_28 : memref<2000x16xf32, #tpu.memory_space<vmem_shared>>) target_semaphore(%run_scoped3A : memref<!tpu.dma_semaphore, #tpu.memory_space<semaphore_mem>>)
        %dma_wait3A = arith.constant 0 : i32
        %dma_wait3A_32 = tpu.memref_slice %arg9[%mul3A_27, %dma_wait3A] : memref<50000x16xf32, #tpu.memory_space<vmem_shared>> -> memref<2000x16xf32, #tpu.memory_space<vmem_shared>>
        %dma_wait3A_33 = arith.constant 0 : i32
        %dma_wait3A_34 = arith.constant 0 : i32
        %dma_wait3A_35 = tpu.memref_slice %arg5[%dma_wait3A_33, %dma_wait3A_34] : memref<3200x16xf32, #tpu.memory_space<hbm>> -> memref<2000x16xf32, #tpu.memory_space<hbm>>
        tpu.wait_dma2 semaphore(%run_scoped3A : memref<!tpu.dma_semaphore, #tpu.memory_space<semaphore_mem>>) src(%dma_wait3A_35 : memref<2000x16xf32, #tpu.memory_space<hbm>>) dst(%dma_wait3A_32 : memref<2000x16xf32, #tpu.memory_space<vmem_shared>>)
        tpu.yield
      }) : () -> ()
    } else {
    }
    %barrier3A = arith.constant 0 : index
    tpu.barrier barrier_id(%barrier3A)
    %eq3A_6 = arith.constant 0 : i32
    %eq3A_7 = arith.cmpi eq, %arg0, %eq3A_6 : i32
    %convert_element_type3A_8 = arith.extui %eq3A_7 : i1 to i32
    %cond3A_9 = arith.constant 0 : i32
    %cond3A_10 = arith.cmpi ne, %convert_element_type3A_8, %cond3A_9 : i32
    scf.if %cond3A_10 {
      %scan3A = arith.constant 0 : i32
      %scan3A_27 = arith.constant 25 : i32
      %scan3A_28 = arith.addi %scan3A, %scan3A_27 : i32
      %scan3A_29 = arith.constant 1 : i32
      scf.for %scan3A_31 = %scan3A to %scan3A_28 step %scan3A_29  : i32 {
        %mul3A = arith.constant 1 : i32
        %mul3A_32 = arith.muli %scan3A_31, %mul3A : i32
        %add3A = arith.constant 0 : i32
        %add3A_33 = arith.addi %add3A, %mul3A_32 : i32
        %mul3A_34 = arith.constant 50000 : i32
        %mul3A_35 = arith.muli %arg1, %mul3A_34 : i32
        %mul3A_36 = arith.constant 2000 : i32
        %mul3A_37 = arith.muli %add3A_33, %mul3A_36 : i32
        %add3A_38 = arith.addi %mul3A_35, %mul3A_37 : i32
        "tpu.region"() ({
          %run_scoped3A = tpu.sem_alloc : memref<!tpu.dma_semaphore, #tpu.memory_space<semaphore_mem>>
          %dma_start3A = tpu.memref_slice %arg4[%add3A_38] : memref<1600000xi32, #tpu.memory_space<hbm>> -> memref<2000xi32, #tpu.memory_space<hbm>>
          %dma_start3A_39 = tpu.memref_slice %arg4[%add3A_38] : memref<1600000xi32, #tpu.memory_space<hbm>> -> memref<2000xi32, #tpu.memory_space<hbm>>
          tpu.enqueue_dma source(%dma_start3A_39 : memref<2000xi32, #tpu.memory_space<hbm>>) target(%arg7 : memref<2000xi32, #tpu.memory_space<vmem>>) target_semaphore(%run_scoped3A : memref<!tpu.dma_semaphore, #tpu.memory_space<semaphore_mem>>)
          %dma_wait3A = tpu.memref_slice %arg4[%add3A_38] : memref<1600000xi32, #tpu.memory_space<hbm>> -> memref<2000xi32, #tpu.memory_space<hbm>>
          %dma_wait3A_40 = tpu.memref_slice %arg4[%add3A_38] : memref<1600000xi32, #tpu.memory_space<hbm>> -> memref<2000xi32, #tpu.memory_space<hbm>>
          tpu.wait_dma2 semaphore(%run_scoped3A : memref<!tpu.dma_semaphore, #tpu.memory_space<semaphore_mem>>) src(%dma_wait3A_40 : memref<2000xi32, #tpu.memory_space<hbm>>) dst(%arg7 : memref<2000xi32, #tpu.memory_space<vmem>>)
          tpu.yield
        }) : () -> ()
        "tpu.region"() ({
          %run_scoped3A = tpu.sem_alloc : memref<!tpu.dma_semaphore, #tpu.memory_space<semaphore_mem>>
          %dma_start3A = arith.constant 0 : i32
          %dma_start3A_39 = tpu.memref_slice %arg2[%add3A_38, %dma_start3A] : memref<800000x16xf32, #tpu.memory_space<hbm>> -> memref<2000x16xf32, #tpu.memory_space<hbm>>
          %dma_start3A_40 = arith.constant 0 : i32
          %dma_start3A_41 = tpu.memref_slice %arg2[%add3A_38, %dma_start3A_40] : memref<800000x16xf32, #tpu.memory_space<hbm>> -> memref<2000x16xf32, #tpu.memory_space<hbm>>
          tpu.enqueue_dma source(%dma_start3A_41 : memref<2000x16xf32, #tpu.memory_space<hbm>>) target(%arg8 : memref<2000x16xf32, #tpu.memory_space<vmem>>) target_semaphore(%run_scoped3A : memref<!tpu.dma_semaphore, #tpu.memory_space<semaphore_mem>>)
          %dma_wait3A = arith.constant 0 : i32
          %dma_wait3A_42 = tpu.memref_slice %arg2[%add3A_38, %dma_wait3A] : memref<800000x16xf32, #tpu.memory_space<hbm>> -> memref<2000x16xf32, #tpu.memory_space<hbm>>
          %dma_wait3A_43 = arith.constant 0 : i32
          %dma_wait3A_44 = tpu.memref_slice %arg2[%add3A_38, %dma_wait3A_43] : memref<800000x16xf32, #tpu.memory_space<hbm>> -> memref<2000x16xf32, #tpu.memory_space<hbm>>
          tpu.wait_dma2 semaphore(%run_scoped3A : memref<!tpu.dma_semaphore, #tpu.memory_space<semaphore_mem>>) src(%dma_wait3A_44 : memref<2000x16xf32, #tpu.memory_space<hbm>>) dst(%arg8 : memref<2000x16xf32, #tpu.memory_space<vmem>>)
          tpu.yield
        }) : () -> ()
        "tpu.region"() ({
          %run_scoped3A = tpu.sem_alloc : memref<!tpu.dma_semaphore, #tpu.memory_space<semaphore_mem>>
          %dma_start3A = arith.constant 0 : i32
          %dma_start3A_39 = arith.constant 0 : i32
          %dma_start3A_40 = tpu.memref_slice %arg9[%dma_start3A, %dma_start3A_39] : memref<50000x16xf32, #tpu.memory_space<vmem_shared>> -> memref<50000x16xf32, #tpu.memory_space<vmem_shared>>
          tpu.enqueue_indirect_dma source(%arg8 : memref<2000x16xf32, #tpu.memory_space<vmem>>) target(%dma_start3A_40 : memref<50000x16xf32, #tpu.memory_space<vmem_shared>>) offsets(%arg7 : memref<2000xi32, #tpu.memory_space<vmem>>) semaphore(%run_scoped3A : memref<!tpu.dma_semaphore, #tpu.memory_space<semaphore_mem>>) {add = true}
          %dma_wait3A = arith.constant 0 : i32
          %dma_wait3A_41 = arith.constant 0 : i32
          %dma_wait3A_42 = tpu.memref_slice %arg9[%dma_wait3A, %dma_wait3A_41] : memref<50000x16xf32, #tpu.memory_space<vmem_shared>> -> memref<50000x16xf32, #tpu.memory_space<vmem_shared>>
          tpu.wait_indirect_dma semaphore(%run_scoped3A : memref<!tpu.dma_semaphore, #tpu.memory_space<semaphore_mem>>) src(%arg8 : memref<2000x16xf32, #tpu.memory_space<vmem>>) dst(%dma_wait3A_42 : memref<50000x16xf32, #tpu.memory_space<vmem_shared>>)
          tpu.yield
        }) : () -> ()
      }
      %scan3A_30 = arith.constant 25 : i32
    } else {
    }
    %eq3A_11 = arith.constant 1 : i32
    %eq3A_12 = arith.cmpi eq, %arg0, %eq3A_11 : i32
    %convert_element_type3A_13 = arith.extui %eq3A_12 : i1 to i32
    %cond3A_14 = arith.constant 0 : i32
    %cond3A_15 = arith.cmpi ne, %convert_element_type3A_13, %cond3A_14 : i32
    scf.if %cond3A_15 {
      %scan3A = arith.constant 0 : i32
      %scan3A_27 = arith.constant 25 : i32
      %scan3A_28 = arith.addi %scan3A, %scan3A_27 : i32
      %scan3A_29 = arith.constant 1 : i32
      scf.for %scan3A_31 = %scan3A to %scan3A_28 step %scan3A_29  : i32 {
        %mul3A = arith.constant 1 : i32
        %mul3A_32 = arith.muli %scan3A_31, %mul3A : i32
        %add3A = arith.constant 0 : i32
        %add3A_33 = arith.addi %add3A, %mul3A_32 : i32
        %mul3A_34 = arith.constant 50000 : i32
        %mul3A_35 = arith.muli %arg1, %mul3A_34 : i32
        %mul3A_36 = arith.constant 2000 : i32
        %mul3A_37 = arith.muli %add3A_33, %mul3A_36 : i32
        %add3A_38 = arith.addi %mul3A_35, %mul3A_37 : i32
        %add3A_39 = arith.constant 800000 : i32
        %add3A_40 = arith.addi %add3A_39, %add3A_38 : i32
        "tpu.region"() ({
          %run_scoped3A = tpu.sem_alloc : memref<!tpu.dma_semaphore, #tpu.memory_space<semaphore_mem>>
          %dma_start3A = tpu.memref_slice %arg4[%add3A_40] : memref<1600000xi32, #tpu.memory_space<hbm>> -> memref<2000xi32, #tpu.memory_space<hbm>>
          %dma_start3A_41 = tpu.memref_slice %arg4[%add3A_40] : memref<1600000xi32, #tpu.memory_space<hbm>> -> memref<2000xi32, #tpu.memory_space<hbm>>
          tpu.enqueue_dma source(%dma_start3A_41 : memref<2000xi32, #tpu.memory_space<hbm>>) target(%arg7 : memref<2000xi32, #tpu.memory_space<vmem>>) target_semaphore(%run_scoped3A : memref<!tpu.dma_semaphore, #tpu.memory_space<semaphore_mem>>)
          %dma_wait3A = tpu.memref_slice %arg4[%add3A_40] : memref<1600000xi32, #tpu.memory_space<hbm>> -> memref<2000xi32, #tpu.memory_space<hbm>>
          %dma_wait3A_42 = tpu.memref_slice %arg4[%add3A_40] : memref<1600000xi32, #tpu.memory_space<hbm>> -> memref<2000xi32, #tpu.memory_space<hbm>>
          tpu.wait_dma2 semaphore(%run_scoped3A : memref<!tpu.dma_semaphore, #tpu.memory_space<semaphore_mem>>) src(%dma_wait3A_42 : memref<2000xi32, #tpu.memory_space<hbm>>) dst(%arg7 : memref<2000xi32, #tpu.memory_space<vmem>>)
          tpu.yield
        }) : () -> ()
        "tpu.region"() ({
          %run_scoped3A = tpu.sem_alloc : memref<!tpu.dma_semaphore, #tpu.memory_space<semaphore_mem>>
          %dma_start3A = arith.constant 0 : i32
          %dma_start3A_41 = tpu.memref_slice %arg3[%add3A_38, %dma_start3A] : memref<800000x16xf32, #tpu.memory_space<hbm>> -> memref<2000x16xf32, #tpu.memory_space<hbm>>
          %dma_start3A_42 = arith.constant 0 : i32
          %dma_start3A_43 = tpu.memref_slice %arg3[%add3A_38, %dma_start3A_42] : memref<800000x16xf32, #tpu.memory_space<hbm>> -> memref<2000x16xf32, #tpu.memory_space<hbm>>
          tpu.enqueue_dma source(%dma_start3A_43 : memref<2000x16xf32, #tpu.memory_space<hbm>>) target(%arg8 : memref<2000x16xf32, #tpu.memory_space<vmem>>) target_semaphore(%run_scoped3A : memref<!tpu.dma_semaphore, #tpu.memory_space<semaphore_mem>>)
          %dma_wait3A = arith.constant 0 : i32
          %dma_wait3A_44 = tpu.memref_slice %arg3[%add3A_38, %dma_wait3A] : memref<800000x16xf32, #tpu.memory_space<hbm>> -> memref<2000x16xf32, #tpu.memory_space<hbm>>
          %dma_wait3A_45 = arith.constant 0 : i32
          %dma_wait3A_46 = tpu.memref_slice %arg3[%add3A_38, %dma_wait3A_45] : memref<800000x16xf32, #tpu.memory_space<hbm>> -> memref<2000x16xf32, #tpu.memory_space<hbm>>
          tpu.wait_dma2 semaphore(%run_scoped3A : memref<!tpu.dma_semaphore, #tpu.memory_space<semaphore_mem>>) src(%dma_wait3A_46 : memref<2000x16xf32, #tpu.memory_space<hbm>>) dst(%arg8 : memref<2000x16xf32, #tpu.memory_space<vmem>>)
          tpu.yield
        }) : () -> ()
        "tpu.region"() ({
          %run_scoped3A = tpu.sem_alloc : memref<!tpu.dma_semaphore, #tpu.memory_space<semaphore_mem>>
          %dma_start3A = arith.constant 0 : i32
          %dma_start3A_41 = arith.constant 0 : i32
          %dma_start3A_42 = tpu.memref_slice %arg9[%dma_start3A, %dma_start3A_41] : memref<50000x16xf32, #tpu.memory_space<vmem_shared>> -> memref<50000x16xf32, #tpu.memory_space<vmem_shared>>
          tpu.enqueue_indirect_dma source(%arg8 : memref<2000x16xf32, #tpu.memory_space<vmem>>) target(%dma_start3A_42 : memref<50000x16xf32, #tpu.memory_space<vmem_shared>>) offsets(%arg7 : memref<2000xi32, #tpu.memory_space<vmem>>) semaphore(%run_scoped3A : memref<!tpu.dma_semaphore, #tpu.memory_space<semaphore_mem>>) {add = true}
          %dma_wait3A = arith.constant 0 : i32
          %dma_wait3A_43 = arith.constant 0 : i32
          %dma_wait3A_44 = tpu.memref_slice %arg9[%dma_wait3A, %dma_wait3A_43] : memref<50000x16xf32, #tpu.memory_space<vmem_shared>> -> memref<50000x16xf32, #tpu.memory_space<vmem_shared>>
          tpu.wait_indirect_dma semaphore(%run_scoped3A : memref<!tpu.dma_semaphore, #tpu.memory_space<semaphore_mem>>) src(%arg8 : memref<2000x16xf32, #tpu.memory_space<vmem>>) dst(%dma_wait3A_44 : memref<50000x16xf32, #tpu.memory_space<vmem_shared>>)
          tpu.yield
        }) : () -> ()
      }
      %scan3A_30 = arith.constant 25 : i32
    } else {
    }
    %barrier3A_16 = arith.constant 0 : index
    tpu.barrier barrier_id(%barrier3A_16)
    %lt3A_17 = arith.constant 15 : i32
    %lt3A_18 = arith.cmpi slt, %arg1, %lt3A_17 : i32
    %convert_element_type3A_19 = arith.extui %lt3A_18 : i1 to i32
    %cond3A_20 = arith.constant 0 : i32
    %cond3A_21 = arith.cmpi ne, %convert_element_type3A_19, %cond3A_20 : i32
    scf.if %cond3A_21 {
      %mul3A = arith.constant 3200 : i32
      %mul3A_27 = arith.muli %arg1, %mul3A : i32
      %mul3A_28 = arith.constant 3200 : i32
      %mul3A_29 = arith.muli %arg1, %mul3A_28 : i32
      "tpu.region"() ({
        %run_scoped3A = tpu.sem_alloc : memref<!tpu.dma_semaphore, #tpu.memory_space<semaphore_mem>>
        %dma_start3A = arith.constant 0 : i32
        %dma_start3A_30 = tpu.memref_slice %arg6[%arg0, %mul3A_29, %dma_start3A] : memref<2x50000x16xf32, #tpu.memory_space<hbm>> -> memref<1x3200x16xf32, #tpu.memory_space<hbm>>
        %dma_start3A_31 = tpu.memref_squeeze %dma_start3A_30 : memref<1x3200x16xf32, #tpu.memory_space<hbm>> -> memref<3200x16xf32, #tpu.memory_space<hbm>>
        %dma_start3A_32 = arith.constant 0 : i32
        %dma_start3A_33 = tpu.memref_slice %arg9[%mul3A_27, %dma_start3A_32] : memref<50000x16xf32, #tpu.memory_space<vmem_shared>> -> memref<3200x16xf32, #tpu.memory_space<vmem_shared>>
        tpu.enqueue_dma source(%dma_start3A_33 : memref<3200x16xf32, #tpu.memory_space<vmem_shared>>) target(%dma_start3A_31 : memref<3200x16xf32, #tpu.memory_space<hbm>>) target_semaphore(%run_scoped3A : memref<!tpu.dma_semaphore, #tpu.memory_space<semaphore_mem>>)
        %dma_wait3A = arith.constant 0 : i32
        %dma_wait3A_34 = tpu.memref_slice %arg6[%arg0, %mul3A_29, %dma_wait3A] : memref<2x50000x16xf32, #tpu.memory_space<hbm>> -> memref<1x3200x16xf32, #tpu.memory_space<hbm>>
        %dma_wait3A_35 = tpu.memref_squeeze %dma_wait3A_34 : memref<1x3200x16xf32, #tpu.memory_space<hbm>> -> memref<3200x16xf32, #tpu.memory_space<hbm>>
        %dma_wait3A_36 = arith.constant 0 : i32
        %dma_wait3A_37 = tpu.memref_slice %arg9[%mul3A_27, %dma_wait3A_36] : memref<50000x16xf32, #tpu.memory_space<vmem_shared>> -> memref<3200x16xf32, #tpu.memory_space<vmem_shared>>
        tpu.wait_dma2 semaphore(%run_scoped3A : memref<!tpu.dma_semaphore, #tpu.memory_space<semaphore_mem>>) src(%dma_wait3A_37 : memref<3200x16xf32, #tpu.memory_space<vmem_shared>>) dst(%dma_wait3A_35 : memref<3200x16xf32, #tpu.memory_space<hbm>>)
        tpu.yield
      }) : () -> ()
    } else {
    }
    %eq3A_22 = arith.constant 15 : i32
    %eq3A_23 = arith.cmpi eq, %arg1, %eq3A_22 : i32
    %convert_element_type3A_24 = arith.extui %eq3A_23 : i1 to i32
    %cond3A_25 = arith.constant 0 : i32
    %cond3A_26 = arith.cmpi ne, %convert_element_type3A_24, %cond3A_25 : i32
    scf.if %cond3A_26 {
      %mul3A = arith.constant 3200 : i32
      %mul3A_27 = arith.muli %arg1, %mul3A : i32
      %mul3A_28 = arith.constant 3200 : i32
      %mul3A_29 = arith.muli %arg1, %mul3A_28 : i32
      "tpu.region"() ({
        %run_scoped3A = tpu.sem_alloc : memref<!tpu.dma_semaphore, #tpu.memory_space<semaphore_mem>>
        %dma_start3A = arith.constant 0 : i32
        %dma_start3A_30 = tpu.memref_slice %arg6[%arg0, %mul3A_29, %dma_start3A] : memref<2x50000x16xf32, #tpu.memory_space<hbm>> -> memref<1x2000x16xf32, #tpu.memory_space<hbm>>
        %dma_start3A_31 = tpu.memref_squeeze %dma_start3A_30 : memref<1x2000x16xf32, #tpu.memory_space<hbm>> -> memref<2000x16xf32, #tpu.memory_space<hbm>>
        %dma_start3A_32 = arith.constant 0 : i32
        %dma_start3A_33 = tpu.memref_slice %arg9[%mul3A_27, %dma_start3A_32] : memref<50000x16xf32, #tpu.memory_space<vmem_shared>> -> memref<2000x16xf32, #tpu.memory_space<vmem_shared>>
        tpu.enqueue_dma source(%dma_start3A_33 : memref<2000x16xf32, #tpu.memory_space<vmem_shared>>) target(%dma_start3A_31 : memref<2000x16xf32, #tpu.memory_space<hbm>>) target_semaphore(%run_scoped3A : memref<!tpu.dma_semaphore, #tpu.memory_space<semaphore_mem>>)
        %dma_wait3A = arith.constant 0 : i32
        %dma_wait3A_34 = tpu.memref_slice %arg6[%arg0, %mul3A_29, %dma_wait3A] : memref<2x50000x16xf32, #tpu.memory_space<hbm>> -> memref<1x2000x16xf32, #tpu.memory_space<hbm>>
        %dma_wait3A_35 = tpu.memref_squeeze %dma_wait3A_34 : memref<1x2000x16xf32, #tpu.memory_space<hbm>> -> memref<2000x16xf32, #tpu.memory_space<hbm>>
        %dma_wait3A_36 = arith.constant 0 : i32
        %dma_wait3A_37 = tpu.memref_slice %arg9[%mul3A_27, %dma_wait3A_36] : memref<50000x16xf32, #tpu.memory_space<vmem_shared>> -> memref<2000x16xf32, #tpu.memory_space<vmem_shared>>
        tpu.wait_dma2 semaphore(%run_scoped3A : memref<!tpu.dma_semaphore, #tpu.memory_space<semaphore_mem>>) src(%dma_wait3A_37 : memref<2000x16xf32, #tpu.memory_space<vmem_shared>>) dst(%dma_wait3A_35 : memref<2000x16xf32, #tpu.memory_space<hbm>>)
        tpu.yield
      }) : () -> ()
    } else {
    }
    return
  }
}

#map = affine_map<(d0, d1) -> (0, 0)>
#map1 = affine_map<(d0, d1) -> (0)>
module attributes {stable_mosaic.version = 14 : i64} {
  func.func @kern(%arg0: i32, %arg1: i32, %arg2: memref<50000x16xf32, #tpu.memory_space<hbm>>, %arg3: memref<1600000xi32, #tpu.memory_space<hbm>>, %arg4: memref<1600000x16xf32, #tpu.memory_space<hbm>>, %arg5: memref<2000xi32, #tpu.memory_space<vmem>>, %arg6: memref<2000x16xf32, #tpu.memory_space<vmem>>, %arg7: memref<!tpu.dma_semaphore, #tpu.memory_space<semaphore_mem>>) attributes {dimension_semantics = [#tpu.dimension_semantics<core_parallel>, #tpu.dimension_semantics<subcore_parallel>], iteration_bounds = array<i64: 2, 16>, scalar_prefetch = 0 : i64, scratch_operands = 3 : i64, tpu.core_type = #tpu.core_type<sc_vector_subcore>, window_params = [{transform_indices = #map}, {transform_indices = #map1}, {transform_indices = #map}]} {
    %mul3A = arith.constant 16 : i32
    %mul3A_0 = arith.muli %arg0, %mul3A : i32
    %add3A = arith.addi %mul3A_0, %arg1 : i32
    %scan3A = arith.constant 0 : i32
    %scan3A_1 = arith.constant 25 : i32
    %scan3A_2 = arith.addi %scan3A, %scan3A_1 : i32
    %scan3A_3 = arith.constant 1 : i32
    scf.for %scan3A_5 = %scan3A to %scan3A_2 step %scan3A_3  : i32 {
      %mul3A_6 = arith.constant 1 : i32
      %mul3A_7 = arith.muli %scan3A_5, %mul3A_6 : i32
      %add3A_8 = arith.constant 0 : i32
      %add3A_9 = arith.addi %add3A_8, %mul3A_7 : i32
      %mul3A_10 = arith.constant 50000 : i32
      %mul3A_11 = arith.muli %add3A, %mul3A_10 : i32
      %mul3A_12 = arith.constant 2000 : i32
      %mul3A_13 = arith.muli %add3A_9, %mul3A_12 : i32
      %add3A_14 = arith.addi %mul3A_11, %mul3A_13 : i32
      "tpu.region"() ({
        %run_scoped3A = tpu.sem_alloc : memref<!tpu.dma_semaphore, #tpu.memory_space<semaphore_mem>>
        %dma_start3A_19 = tpu.memref_slice %arg3[%add3A_14] : memref<1600000xi32, #tpu.memory_space<hbm>> -> memref<2000xi32, #tpu.memory_space<hbm>>
        %dma_start3A_20 = tpu.memref_slice %arg3[%add3A_14] : memref<1600000xi32, #tpu.memory_space<hbm>> -> memref<2000xi32, #tpu.memory_space<hbm>>
        tpu.enqueue_dma source(%dma_start3A_20 : memref<2000xi32, #tpu.memory_space<hbm>>) target(%arg5 : memref<2000xi32, #tpu.memory_space<vmem>>) target_semaphore(%run_scoped3A : memref<!tpu.dma_semaphore, #tpu.memory_space<semaphore_mem>>)
        %dma_wait3A_21 = tpu.memref_slice %arg3[%add3A_14] : memref<1600000xi32, #tpu.memory_space<hbm>> -> memref<2000xi32, #tpu.memory_space<hbm>>
        %dma_wait3A_22 = tpu.memref_slice %arg3[%add3A_14] : memref<1600000xi32, #tpu.memory_space<hbm>> -> memref<2000xi32, #tpu.memory_space<hbm>>
        tpu.wait_dma2 semaphore(%run_scoped3A : memref<!tpu.dma_semaphore, #tpu.memory_space<semaphore_mem>>) src(%dma_wait3A_22 : memref<2000xi32, #tpu.memory_space<hbm>>) dst(%arg5 : memref<2000xi32, #tpu.memory_space<vmem>>)
        tpu.yield
      }) : () -> ()
      %dma_start3A = arith.constant 0 : i32
      %dma_start3A_15 = arith.constant 0 : i32
      %dma_start3A_16 = tpu.memref_slice %arg2[%dma_start3A, %dma_start3A_15] : memref<50000x16xf32, #tpu.memory_space<hbm>> -> memref<50000x16xf32, #tpu.memory_space<hbm>>
      tpu.enqueue_indirect_dma source(%dma_start3A_16 : memref<50000x16xf32, #tpu.memory_space<hbm>>) target(%arg6 : memref<2000x16xf32, #tpu.memory_space<vmem>>) offsets(%arg5 : memref<2000xi32, #tpu.memory_space<vmem>>) semaphore(%arg7 : memref<!tpu.dma_semaphore, #tpu.memory_space<semaphore_mem>>)
      %dma_wait3A = arith.constant 0 : i32
      %dma_wait3A_17 = arith.constant 0 : i32
      %dma_wait3A_18 = tpu.memref_slice %arg2[%dma_wait3A, %dma_wait3A_17] : memref<50000x16xf32, #tpu.memory_space<hbm>> -> memref<50000x16xf32, #tpu.memory_space<hbm>>
      tpu.wait_indirect_dma semaphore(%arg7 : memref<!tpu.dma_semaphore, #tpu.memory_space<semaphore_mem>>) src(%dma_wait3A_18 : memref<50000x16xf32, #tpu.memory_space<hbm>>) dst(%arg6 : memref<2000x16xf32, #tpu.memory_space<vmem>>)
      "tpu.region"() ({
        %run_scoped3A = tpu.sem_alloc : memref<!tpu.dma_semaphore, #tpu.memory_space<semaphore_mem>>
        %dma_start3A_19 = arith.constant 0 : i32
        %dma_start3A_20 = tpu.memref_slice %arg4[%add3A_14, %dma_start3A_19] : memref<1600000x16xf32, #tpu.memory_space<hbm>> -> memref<2000x16xf32, #tpu.memory_space<hbm>>
        %dma_start3A_21 = arith.constant 0 : i32
        %dma_start3A_22 = tpu.memref_slice %arg4[%add3A_14, %dma_start3A_21] : memref<1600000x16xf32, #tpu.memory_space<hbm>> -> memref<2000x16xf32, #tpu.memory_space<hbm>>
        tpu.enqueue_dma source(%arg6 : memref<2000x16xf32, #tpu.memory_space<vmem>>) target(%dma_start3A_22 : memref<2000x16xf32, #tpu.memory_space<hbm>>) target_semaphore(%run_scoped3A : memref<!tpu.dma_semaphore, #tpu.memory_space<semaphore_mem>>)
        %dma_wait3A_23 = arith.constant 0 : i32
        %dma_wait3A_24 = tpu.memref_slice %arg4[%add3A_14, %dma_wait3A_23] : memref<1600000x16xf32, #tpu.memory_space<hbm>> -> memref<2000x16xf32, #tpu.memory_space<hbm>>
        %dma_wait3A_25 = arith.constant 0 : i32
        %dma_wait3A_26 = tpu.memref_slice %arg4[%add3A_14, %dma_wait3A_25] : memref<1600000x16xf32, #tpu.memory_space<hbm>> -> memref<2000x16xf32, #tpu.memory_space<hbm>>
        tpu.wait_dma2 semaphore(%run_scoped3A : memref<!tpu.dma_semaphore, #tpu.memory_space<semaphore_mem>>) src(%arg6 : memref<2000x16xf32, #tpu.memory_space<vmem>>) dst(%dma_wait3A_26 : memref<2000x16xf32, #tpu.memory_space<hbm>>)
        tpu.yield
      }) : () -> ()
    }
    %scan3A_4 = arith.constant 25 : i32
    return
  }
}

module attributes {stable_mosaic.version = 14 : i64} {
  func.func @_edge_body(%arg0: i32, %arg1: memref<256000xf32, #tpu.memory_space<vmem>>, %arg2: memref<256000xf32, #tpu.memory_space<vmem>>, %arg3: memref<256000xf32, #tpu.memory_space<vmem>>, %arg4: memref<128x512xf32, #tpu.memory_space<vmem>>, %arg5: memref<128x512xf32, #tpu.memory_space<vmem>>, %arg6: memref<128x512xf32, #tpu.memory_space<vmem>>, %arg7: memref<1x512xf32, #tpu.memory_space<vmem>>, %arg8: memref<512x256xf32, #tpu.memory_space<vmem>>, %arg9: memref<1x256xf32, #tpu.memory_space<vmem>>, %arg10: memref<256x384xf32, #tpu.memory_space<vmem>>, %arg11: memref<1x384xf32, #tpu.memory_space<vmem>>, %arg12: memref<256000xf32, #tpu.memory_space<vmem>>, %arg13: memref<256000xf32, #tpu.memory_space<vmem>>, %arg14: memref<256000xf32, #tpu.memory_space<vmem>>) attributes {dimension_semantics = [#tpu.dimension_semantics<arbitrary>], iteration_bounds = array<i64: 50>, scalar_prefetch = 0 : i64, scratch_operands = 0 : i64, tpu.core_type = #tpu.core_type<tc>, window_params = [{transform_indices = @transform_0, window_bounds = array<i64: 256000>}, {transform_indices = @transform_1, window_bounds = array<i64: 256000>}, {transform_indices = @transform_2, window_bounds = array<i64: 256000>}, {pipeline_mode = #tpu.pipeline_mode<synchronous>, transform_indices = @transform_3, window_bounds = array<i64: 128, 512>}, {pipeline_mode = #tpu.pipeline_mode<synchronous>, transform_indices = @transform_4, window_bounds = array<i64: 128, 512>}, {pipeline_mode = #tpu.pipeline_mode<synchronous>, transform_indices = @transform_5, window_bounds = array<i64: 128, 512>}, {pipeline_mode = #tpu.pipeline_mode<synchronous>, transform_indices = @transform_6, window_bounds = array<i64: 1, 512>}, {pipeline_mode = #tpu.pipeline_mode<synchronous>, transform_indices = @transform_7, window_bounds = array<i64: 512, 256>}, {pipeline_mode = #tpu.pipeline_mode<synchronous>, transform_indices = @transform_8, window_bounds = array<i64: 1, 256>}, {pipeline_mode = #tpu.pipeline_mode<synchronous>, transform_indices = @transform_9, window_bounds = array<i64: 256, 384>}, {pipeline_mode = #tpu.pipeline_mode<synchronous>, transform_indices = @transform_10, window_bounds = array<i64: 1, 384>}, {transform_indices = @transform_11, window_bounds = array<i64: 256000>}, {transform_indices = @transform_12, window_bounds = array<i64: 256000>}, {transform_indices = @transform_13, window_bounds = array<i64: 256000>}]} {
    %get3A = arith.constant 0 : index
    %get3A_0 = vector.load %arg3[%get3A] : memref<256000xf32, #tpu.memory_space<vmem>>, vector<256000xf32>
    %reshape3A = vector.shape_cast %get3A_0 : vector<256000xf32> to vector<2000x128xf32>
    %get3A_1 = arith.constant 0 : index
    %get3A_2 = vector.load %arg1[%get3A_1] : memref<256000xf32, #tpu.memory_space<vmem>>, vector<256000xf32>
    %reshape3A_3 = vector.shape_cast %get3A_2 : vector<256000xf32> to vector<2000x128xf32>
    %get3A_4 = arith.constant 0 : index
    %get3A_5 = vector.load %arg2[%get3A_4] : memref<256000xf32, #tpu.memory_space<vmem>>, vector<256000xf32>
    %reshape3A_6 = vector.shape_cast %get3A_5 : vector<256000xf32> to vector<2000x128xf32>
    %get3A_7 = arith.constant 0 : index
    %get3A_8 = arith.constant 0 : index
    %get3A_9 = vector.load %arg4[%get3A_7, %get3A_8] : memref<128x512xf32, #tpu.memory_space<vmem>>, vector<128x512xf32>
    %dot_general3A = arith.constant dense<0.000000e+00> : vector<2000x512xf32>
    %dot_general3A_10 = tpu.matmul %reshape3A_3, %get3A_9, %dot_general3A {dimension_numbers = #tpu.dot_dimension_numbers<[1], [0], [0], [1], [0, 0, 1, 1], [], []>, transpose_lhs_hint = false} : vector<2000x128xf32>, vector<128x512xf32>, vector<2000x512xf32> -> vector<2000x512xf32>
    %get3A_11 = arith.constant 0 : index
    %get3A_12 = arith.constant 0 : index
    %get3A_13 = vector.load %arg5[%get3A_11, %get3A_12] : memref<128x512xf32, #tpu.memory_space<vmem>>, vector<128x512xf32>
    %dot_general3A_14 = arith.constant dense<0.000000e+00> : vector<2000x512xf32>
    %dot_general3A_15 = tpu.matmul %reshape3A_6, %get3A_13, %dot_general3A_14 {dimension_numbers = #tpu.dot_dimension_numbers<[1], [0], [0], [1], [0, 0, 1, 1], [], []>, transpose_lhs_hint = false} : vector<2000x128xf32>, vector<128x512xf32>, vector<2000x512xf32> -> vector<2000x512xf32>
    %add3A = arith.addf %dot_general3A_10, %dot_general3A_15 : vector<2000x512xf32>
    %get3A_16 = arith.constant 0 : index
    %get3A_17 = arith.constant 0 : index
    %get3A_18 = vector.load %arg6[%get3A_16, %get3A_17] : memref<128x512xf32, #tpu.memory_space<vmem>>, vector<128x512xf32>
    %dot_general3A_19 = arith.constant dense<0.000000e+00> : vector<2000x512xf32>
    %dot_general3A_20 = tpu.matmul %reshape3A, %get3A_18, %dot_general3A_19 {dimension_numbers = #tpu.dot_dimension_numbers<[1], [0], [0], [1], [0, 0, 1, 1], [], []>, transpose_lhs_hint = false} : vector<2000x128xf32>, vector<128x512xf32>, vector<2000x512xf32> -> vector<2000x512xf32>
    %add3A_21 = arith.addf %add3A, %dot_general3A_20 : vector<2000x512xf32>
    %get3A_22 = arith.constant 0 : index
    %get3A_23 = arith.constant 0 : index
    %get3A_24 = vector.load %arg7[%get3A_22, %get3A_23] : memref<1x512xf32, #tpu.memory_space<vmem>>, vector<1x512xf32>
    %add3A_25 = vector.broadcast %get3A_24 : vector<1x512xf32> to vector<2000x512xf32>
    %add3A_26 = arith.addf %add3A_21, %add3A_25 : vector<2000x512xf32>
    %neg3A = arith.constant 0.000000e+00 : f32
    %neg3A_27 = vector.broadcast %neg3A : f32 to vector<2000x512xf32>
    %neg3A_28 = arith.subf %neg3A_27, %add3A_26 : vector<2000x512xf32>
    %exp3A = math.exp %neg3A_28 : vector<2000x512xf32>
    %add3A_29 = arith.constant 1.000000e+00 : f32
    %add3A_30 = vector.broadcast %add3A_29 : f32 to vector<2000x512xf32>
    %add3A_31 = arith.addf %add3A_30, %exp3A : vector<2000x512xf32>
    %div3A = arith.constant 1.000000e+00 : f32
    %div3A_32 = vector.broadcast %div3A : f32 to vector<2000x512xf32>
    %div3A_33 = arith.divf %div3A_32, %add3A_31 : vector<2000x512xf32>
    %mul3A = arith.mulf %add3A_26, %div3A_33 : vector<2000x512xf32>
    %get3A_34 = arith.constant 0 : index
    %get3A_35 = arith.constant 0 : index
    %get3A_36 = vector.load %arg8[%get3A_34, %get3A_35] : memref<512x256xf32, #tpu.memory_space<vmem>>, vector<512x256xf32>
    %dot_general3A_37 = arith.constant dense<0.000000e+00> : vector<2000x256xf32>
    %dot_general3A_38 = tpu.matmul %mul3A, %get3A_36, %dot_general3A_37 {dimension_numbers = #tpu.dot_dimension_numbers<[1], [0], [0], [1], [0, 0, 1, 1], [], []>, transpose_lhs_hint = false} : vector<2000x512xf32>, vector<512x256xf32>, vector<2000x256xf32> -> vector<2000x256xf32>
    %get3A_39 = arith.constant 0 : index
    %get3A_40 = arith.constant 0 : index
    %get3A_41 = vector.load %arg9[%get3A_39, %get3A_40] : memref<1x256xf32, #tpu.memory_space<vmem>>, vector<1x256xf32>
    %add3A_42 = vector.broadcast %get3A_41 : vector<1x256xf32> to vector<2000x256xf32>
    %add3A_43 = arith.addf %dot_general3A_38, %add3A_42 : vector<2000x256xf32>
    %neg3A_44 = arith.constant 0.000000e+00 : f32
    %neg3A_45 = vector.broadcast %neg3A_44 : f32 to vector<2000x256xf32>
    %neg3A_46 = arith.subf %neg3A_45, %add3A_43 : vector<2000x256xf32>
    %exp3A_47 = math.exp %neg3A_46 : vector<2000x256xf32>
    %add3A_48 = arith.constant 1.000000e+00 : f32
    %add3A_49 = vector.broadcast %add3A_48 : f32 to vector<2000x256xf32>
    %add3A_50 = arith.addf %add3A_49, %exp3A_47 : vector<2000x256xf32>
    %div3A_51 = arith.constant 1.000000e+00 : f32
    %div3A_52 = vector.broadcast %div3A_51 : f32 to vector<2000x256xf32>
    %div3A_53 = arith.divf %div3A_52, %add3A_50 : vector<2000x256xf32>
    %mul3A_54 = arith.mulf %add3A_43, %div3A_53 : vector<2000x256xf32>
    %get3A_55 = arith.constant 0 : index
    %get3A_56 = arith.constant 0 : index
    %get3A_57 = vector.load %arg10[%get3A_55, %get3A_56] : memref<256x384xf32, #tpu.memory_space<vmem>>, vector<256x384xf32>
    %dot_general3A_58 = arith.constant dense<0.000000e+00> : vector<2000x384xf32>
    %dot_general3A_59 = tpu.matmul %mul3A_54, %get3A_57, %dot_general3A_58 {dimension_numbers = #tpu.dot_dimension_numbers<[1], [0], [0], [1], [0, 0, 1, 1], [], []>, transpose_lhs_hint = false} : vector<2000x256xf32>, vector<256x384xf32>, vector<2000x384xf32> -> vector<2000x384xf32>
    %get3A_60 = arith.constant 0 : index
    %get3A_61 = arith.constant 0 : index
    %get3A_62 = vector.load %arg11[%get3A_60, %get3A_61] : memref<1x384xf32, #tpu.memory_space<vmem>>, vector<1x384xf32>
    %add3A_63 = vector.broadcast %get3A_62 : vector<1x384xf32> to vector<2000x384xf32>
    %add3A_64 = arith.addf %dot_general3A_59, %add3A_63 : vector<2000x384xf32>
    %slice3A = vector.extract_strided_slice %add3A_64 {offsets = [0, 0], sizes = [2000, 128], strides = [1, 1]} : vector<2000x384xf32> to vector<2000x128xf32>
    %reshape3A_65 = vector.shape_cast %slice3A : vector<2000x128xf32> to vector<256000xf32>
    %swap3A = arith.constant 0 : index
    %swap3A_66 = vector.load %arg12[%swap3A] : memref<256000xf32, #tpu.memory_space<vmem>>, vector<256000xf32>
    tpu.vector_store %arg12[%swap3A], %reshape3A_65 {strides = array<i32>} : memref<256000xf32, #tpu.memory_space<vmem>>, vector<256000xf32>,
    %slice3A_67 = vector.extract_strided_slice %add3A_64 {offsets = [0, 128], sizes = [2000, 128], strides = [1, 1]} : vector<2000x384xf32> to vector<2000x128xf32>
    %reshape3A_68 = vector.shape_cast %slice3A_67 : vector<2000x128xf32> to vector<256000xf32>
    %swap3A_69 = arith.constant 0 : index
    %swap3A_70 = vector.load %arg13[%swap3A_69] : memref<256000xf32, #tpu.memory_space<vmem>>, vector<256000xf32>
    tpu.vector_store %arg13[%swap3A_69], %reshape3A_68 {strides = array<i32>} : memref<256000xf32, #tpu.memory_space<vmem>>, vector<256000xf32>,
    %slice3A_71 = vector.extract_strided_slice %add3A_64 {offsets = [0, 256], sizes = [2000, 128], strides = [1, 1]} : vector<2000x384xf32> to vector<2000x128xf32>
    %add3A_72 = arith.addf %reshape3A, %slice3A_71 : vector<2000x128xf32>
    %reshape3A_73 = vector.shape_cast %add3A_72 : vector<2000x128xf32> to vector<256000xf32>
    %swap3A_74 = arith.constant 0 : index
    %swap3A_75 = vector.load %arg14[%swap3A_74] : memref<256000xf32, #tpu.memory_space<vmem>>, vector<256000xf32>
    tpu.vector_store %arg14[%swap3A_74], %reshape3A_73 {strides = array<i32>} : memref<256000xf32, #tpu.memory_space<vmem>>, vector<256000xf32>,
    return
  }
  func.func @transform_0(%arg0: i32) -> i32 {
    %c0_i32 = arith.constant 0 : i32
    return %arg0 : i32
  }
  func.func @transform_1(%arg0: i32) -> i32 {
    %add3A = arith.constant 50 : i32
    %add3A_0 = arith.addi %arg0, %add3A : i32
    %c0_i32 = arith.constant 0 : i32
    return %add3A_0 : i32
  }
  func.func @transform_2(%arg0: i32) -> i32 {
    %c0_i32 = arith.constant 0 : i32
    return %arg0 : i32
  }
  func.func @transform_3(%arg0: i32) -> (i32, i32) {
    %c0_i32 = arith.constant 0 : i32
    %c0_i32_0 = arith.constant 0 : i32
    %c0_i32_1 = arith.constant 0 : i32
    return %c0_i32, %c0_i32_0 : i32, i32
  }
  func.func @transform_4(%arg0: i32) -> (i32, i32) {
    %c0_i32 = arith.constant 0 : i32
    %c0_i32_0 = arith.constant 0 : i32
    %c0_i32_1 = arith.constant 0 : i32
    return %c0_i32, %c0_i32_0 : i32, i32
  }
  func.func @transform_5(%arg0: i32) -> (i32, i32) {
    %c0_i32 = arith.constant 0 : i32
    %c0_i32_0 = arith.constant 0 : i32
    %c0_i32_1 = arith.constant 0 : i32
    return %c0_i32, %c0_i32_0 : i32, i32
  }
  func.func @transform_6(%arg0: i32) -> (i32, i32) {
    %c0_i32 = arith.constant 0 : i32
    %c0_i32_0 = arith.constant 0 : i32
    %c0_i32_1 = arith.constant 0 : i32
    return %c0_i32, %c0_i32_0 : i32, i32
  }
  func.func @transform_7(%arg0: i32) -> (i32, i32) {
    %c0_i32 = arith.constant 0 : i32
    %c0_i32_0 = arith.constant 0 : i32
    %c0_i32_1 = arith.constant 0 : i32
    return %c0_i32, %c0_i32_0 : i32, i32
  }
  func.func @transform_8(%arg0: i32) -> (i32, i32) {
    %c0_i32 = arith.constant 0 : i32
    %c0_i32_0 = arith.constant 0 : i32
    %c0_i32_1 = arith.constant 0 : i32
    return %c0_i32, %c0_i32_0 : i32, i32
  }
  func.func @transform_9(%arg0: i32) -> (i32, i32) {
    %c0_i32 = arith.constant 0 : i32
    %c0_i32_0 = arith.constant 0 : i32
    %c0_i32_1 = arith.constant 0 : i32
    return %c0_i32, %c0_i32_0 : i32, i32
  }
  func.func @transform_10(%arg0: i32) -> (i32, i32) {
    %c0_i32 = arith.constant 0 : i32
    %c0_i32_0 = arith.constant 0 : i32
    %c0_i32_1 = arith.constant 0 : i32
    return %c0_i32, %c0_i32_0 : i32, i32
  }
  func.func @transform_11(%arg0: i32) -> i32 {
    %c0_i32 = arith.constant 0 : i32
    return %arg0 : i32
  }
  func.func @transform_12(%arg0: i32) -> i32 {
    %c0_i32 = arith.constant 0 : i32
    return %arg0 : i32
  }
  func.func @transform_13(%arg0: i32) -> i32 {
    %c0_i32 = arith.constant 0 : i32
    return %arg0 : i32
  }
}

module attributes {stable_mosaic.version = 14 : i64} {
  func.func @_node_body(%arg0: i32, %arg1: memref<6250x128xf32, #tpu.memory_space<vmem>>, %arg2: memref<1x6250x128xf32, #tpu.memory_space<vmem>>, %arg3: memref<1x6250x128xf32, #tpu.memory_space<vmem>>, %arg4: memref<128x512xf32, #tpu.memory_space<vmem>>, %arg5: memref<128x512xf32, #tpu.memory_space<vmem>>, %arg6: memref<128x512xf32, #tpu.memory_space<vmem>>, %arg7: memref<1x512xf32, #tpu.memory_space<vmem>>, %arg8: memref<512x256xf32, #tpu.memory_space<vmem>>, %arg9: memref<1x256xf32, #tpu.memory_space<vmem>>, %arg10: memref<256x128xf32, #tpu.memory_space<vmem>>, %arg11: memref<1x128xf32, #tpu.memory_space<vmem>>, %arg12: memref<6250x128xf32, #tpu.memory_space<vmem>>) attributes {dimension_semantics = [#tpu.dimension_semantics<arbitrary>], iteration_bounds = array<i64: 1>, scalar_prefetch = 0 : i64, scratch_operands = 0 : i64, tpu.core_type = #tpu.core_type<tc>, window_params = [{pipeline_mode = #tpu.pipeline_mode<synchronous>, transform_indices = @transform_0, window_bounds = array<i64: 6250, 128>}, {transform_indices = @transform_1, window_bounds = array<i64: 1, 6250, 128>}, {transform_indices = @transform_2, window_bounds = array<i64: 1, 6250, 128>}, {pipeline_mode = #tpu.pipeline_mode<synchronous>, transform_indices = @transform_3, window_bounds = array<i64: 128, 512>}, {pipeline_mode = #tpu.pipeline_mode<synchronous>, transform_indices = @transform_4, window_bounds = array<i64: 128, 512>}, {pipeline_mode = #tpu.pipeline_mode<synchronous>, transform_indices = @transform_5, window_bounds = array<i64: 128, 512>}, {pipeline_mode = #tpu.pipeline_mode<synchronous>, transform_indices = @transform_6, window_bounds = array<i64: 1, 512>}, {pipeline_mode = #tpu.pipeline_mode<synchronous>, transform_indices = @transform_7, window_bounds = array<i64: 512, 256>}, {pipeline_mode = #tpu.pipeline_mode<synchronous>, transform_indices = @transform_8, window_bounds = array<i64: 1, 256>}, {pipeline_mode = #tpu.pipeline_mode<synchronous>, transform_indices = @transform_9, window_bounds = array<i64: 256, 128>}, {pipeline_mode = #tpu.pipeline_mode<synchronous>, transform_indices = @transform_10, window_bounds = array<i64: 1, 128>}, {pipeline_mode = #tpu.pipeline_mode<synchronous>, transform_indices = @transform_11, window_bounds = array<i64: 6250, 128>}]} {
    %get3A = arith.constant 0 : index
    %get3A_0 = arith.constant 0 : index
    %get3A_1 = vector.load %arg1[%get3A, %get3A_0] : memref<6250x128xf32, #tpu.memory_space<vmem>>, vector<6250x128xf32>
    %get3A_2 = arith.constant 0 : index
    %get3A_3 = arith.constant 0 : index
    %get3A_4 = vector.load %arg4[%get3A_2, %get3A_3] : memref<128x512xf32, #tpu.memory_space<vmem>>, vector<128x512xf32>
    %dot_general3A = arith.constant dense<0.000000e+00> : vector<6250x512xf32>
    %dot_general3A_5 = tpu.matmul %get3A_1, %get3A_4, %dot_general3A {dimension_numbers = #tpu.dot_dimension_numbers<[1], [0], [0], [1], [0, 0, 1, 1], [], []>, transpose_lhs_hint = false} : vector<6250x128xf32>, vector<128x512xf32>, vector<6250x512xf32> -> vector<6250x512xf32>
    %get3A_6 = arith.constant 0 : index
    %get3A_7 = arith.constant 0 : index
    %get3A_8 = arith.constant 0 : index
    %get3A_9 = vector.load %arg2[%get3A_6, %get3A_7, %get3A_8] : memref<1x6250x128xf32, #tpu.memory_space<vmem>>, vector<1x6250x128xf32>
    %get3A_10 = vector.shape_cast %get3A_9 : vector<1x6250x128xf32> to vector<6250x128xf32>
    %get3A_11 = arith.constant 0 : index
    %get3A_12 = arith.constant 0 : index
    %get3A_13 = vector.load %arg5[%get3A_11, %get3A_12] : memref<128x512xf32, #tpu.memory_space<vmem>>, vector<128x512xf32>
    %dot_general3A_14 = arith.constant dense<0.000000e+00> : vector<6250x512xf32>
    %dot_general3A_15 = tpu.matmul %get3A_10, %get3A_13, %dot_general3A_14 {dimension_numbers = #tpu.dot_dimension_numbers<[1], [0], [0], [1], [0, 0, 1, 1], [], []>, transpose_lhs_hint = false} : vector<6250x128xf32>, vector<128x512xf32>, vector<6250x512xf32> -> vector<6250x512xf32>
    %add3A = arith.addf %dot_general3A_5, %dot_general3A_15 : vector<6250x512xf32>
    %get3A_16 = arith.constant 0 : index
    %get3A_17 = arith.constant 0 : index
    %get3A_18 = arith.constant 0 : index
    %get3A_19 = vector.load %arg3[%get3A_16, %get3A_17, %get3A_18] : memref<1x6250x128xf32, #tpu.memory_space<vmem>>, vector<1x6250x128xf32>
    %get3A_20 = vector.shape_cast %get3A_19 : vector<1x6250x128xf32> to vector<6250x128xf32>
    %get3A_21 = arith.constant 0 : index
    %get3A_22 = arith.constant 0 : index
    %get3A_23 = vector.load %arg6[%get3A_21, %get3A_22] : memref<128x512xf32, #tpu.memory_space<vmem>>, vector<128x512xf32>
    %dot_general3A_24 = arith.constant dense<0.000000e+00> : vector<6250x512xf32>
    %dot_general3A_25 = tpu.matmul %get3A_20, %get3A_23, %dot_general3A_24 {dimension_numbers = #tpu.dot_dimension_numbers<[1], [0], [0], [1], [0, 0, 1, 1], [], []>, transpose_lhs_hint = false} : vector<6250x128xf32>, vector<128x512xf32>, vector<6250x512xf32> -> vector<6250x512xf32>
    %add3A_26 = arith.addf %add3A, %dot_general3A_25 : vector<6250x512xf32>
    %get3A_27 = arith.constant 0 : index
    %get3A_28 = arith.constant 0 : index
    %get3A_29 = vector.load %arg7[%get3A_27, %get3A_28] : memref<1x512xf32, #tpu.memory_space<vmem>>, vector<1x512xf32>
    %add3A_30 = vector.broadcast %get3A_29 : vector<1x512xf32> to vector<6250x512xf32>
    %add3A_31 = arith.addf %add3A_26, %add3A_30 : vector<6250x512xf32>
    %neg3A = arith.constant 0.000000e+00 : f32
    %neg3A_32 = vector.broadcast %neg3A : f32 to vector<6250x512xf32>
    %neg3A_33 = arith.subf %neg3A_32, %add3A_31 : vector<6250x512xf32>
    %exp3A = math.exp %neg3A_33 : vector<6250x512xf32>
    %add3A_34 = arith.constant 1.000000e+00 : f32
    %add3A_35 = vector.broadcast %add3A_34 : f32 to vector<6250x512xf32>
    %add3A_36 = arith.addf %add3A_35, %exp3A : vector<6250x512xf32>
    %div3A = arith.constant 1.000000e+00 : f32
    %div3A_37 = vector.broadcast %div3A : f32 to vector<6250x512xf32>
    %div3A_38 = arith.divf %div3A_37, %add3A_36 : vector<6250x512xf32>
    %mul3A = arith.mulf %add3A_31, %div3A_38 : vector<6250x512xf32>
    %get3A_39 = arith.constant 0 : index
    %get3A_40 = arith.constant 0 : index
    %get3A_41 = vector.load %arg8[%get3A_39, %get3A_40] : memref<512x256xf32, #tpu.memory_space<vmem>>, vector<512x256xf32>
    %dot_general3A_42 = arith.constant dense<0.000000e+00> : vector<6250x256xf32>
    %dot_general3A_43 = tpu.matmul %mul3A, %get3A_41, %dot_general3A_42 {dimension_numbers = #tpu.dot_dimension_numbers<[1], [0], [0], [1], [0, 0, 1, 1], [], []>, transpose_lhs_hint = false} : vector<6250x512xf32>, vector<512x256xf32>, vector<6250x256xf32> -> vector<6250x256xf32>
    %get3A_44 = arith.constant 0 : index
    %get3A_45 = arith.constant 0 : index
    %get3A_46 = vector.load %arg9[%get3A_44, %get3A_45] : memref<1x256xf32, #tpu.memory_space<vmem>>, vector<1x256xf32>
    %add3A_47 = vector.broadcast %get3A_46 : vector<1x256xf32> to vector<6250x256xf32>
    %add3A_48 = arith.addf %dot_general3A_43, %add3A_47 : vector<6250x256xf32>
    %neg3A_49 = arith.constant 0.000000e+00 : f32
    %neg3A_50 = vector.broadcast %neg3A_49 : f32 to vector<6250x256xf32>
    %neg3A_51 = arith.subf %neg3A_50, %add3A_48 : vector<6250x256xf32>
    %exp3A_52 = math.exp %neg3A_51 : vector<6250x256xf32>
    %add3A_53 = arith.constant 1.000000e+00 : f32
    %add3A_54 = vector.broadcast %add3A_53 : f32 to vector<6250x256xf32>
    %add3A_55 = arith.addf %add3A_54, %exp3A_52 : vector<6250x256xf32>
    %div3A_56 = arith.constant 1.000000e+00 : f32
    %div3A_57 = vector.broadcast %div3A_56 : f32 to vector<6250x256xf32>
    %div3A_58 = arith.divf %div3A_57, %add3A_55 : vector<6250x256xf32>
    %mul3A_59 = arith.mulf %add3A_48, %div3A_58 : vector<6250x256xf32>
    %get3A_60 = arith.constant 0 : index
    %get3A_61 = arith.constant 0 : index
    %get3A_62 = vector.load %arg10[%get3A_60, %get3A_61] : memref<256x128xf32, #tpu.memory_space<vmem>>, vector<256x128xf32>
    %dot_general3A_63 = arith.constant dense<0.000000e+00> : vector<6250x128xf32>
    %dot_general3A_64 = tpu.matmul %mul3A_59, %get3A_62, %dot_general3A_63 {dimension_numbers = #tpu.dot_dimension_numbers<[1], [0], [0], [1], [0, 0, 1, 1], [], []>, transpose_lhs_hint = false} : vector<6250x256xf32>, vector<256x128xf32>, vector<6250x128xf32> -> vector<6250x128xf32>
    %get3A_65 = arith.constant 0 : index
    %get3A_66 = arith.constant 0 : index
    %get3A_67 = vector.load %arg11[%get3A_65, %get3A_66] : memref<1x128xf32, #tpu.memory_space<vmem>>, vector<1x128xf32>
    %add3A_68 = vector.broadcast %get3A_67 : vector<1x128xf32> to vector<6250x128xf32>
    %add3A_69 = arith.addf %dot_general3A_64, %add3A_68 : vector<6250x128xf32>
    %add3A_70 = arith.addf %get3A_1, %add3A_69 : vector<6250x128xf32>
    %div3A_71 = arith.constant 1.000000e+06 : f32
    %div3A_72 = vector.broadcast %div3A_71 : f32 to vector<6250x128xf32>
    %div3A_73 = arith.divf %add3A_70, %div3A_72 : vector<6250x128xf32>
    %tanh3A = math.tanh %div3A_73 : vector<6250x128xf32>
    %mul3A_74 = arith.constant 1.000000e+06 : f32
    %mul3A_75 = vector.broadcast %mul3A_74 : f32 to vector<6250x128xf32>
    %mul3A_76 = arith.mulf %mul3A_75, %tanh3A : vector<6250x128xf32>
    %swap3A = arith.constant 0 : index
    %swap3A_77 = arith.constant 0 : index
    %swap3A_78 = vector.load %arg12[%swap3A, %swap3A_77] : memref<6250x128xf32, #tpu.memory_space<vmem>>, vector<6250x128xf32>
    tpu.vector_store %arg12[%swap3A, %swap3A_77], %mul3A_76 {strides = array<i32>} : memref<6250x128xf32, #tpu.memory_space<vmem>>, vector<6250x128xf32>,
    return
  }
  func.func @transform_0(%arg0: i32) -> (i32, i32) {
    %c0_i32 = arith.constant 0 : i32
    %c0_i32_0 = arith.constant 0 : i32
    %c0_i32_1 = arith.constant 0 : i32
    return %c0_i32, %c0_i32_0 : i32, i32
  }
  func.func @transform_1(%arg0: i32) -> (i32, i32, i32) {
    %c0_i32 = arith.constant 0 : i32
    %c0_i32_0 = arith.constant 0 : i32
    %c0_i32_1 = arith.constant 0 : i32
    %c0_i32_2 = arith.constant 0 : i32
    return %c0_i32, %c0_i32_0, %c0_i32_1 : i32, i32, i32
  }
  func.func @transform_2(%arg0: i32) -> (i32, i32, i32) {
    %c1_i32 = arith.constant 1 : i32
    %c0_i32 = arith.constant 0 : i32
    %c0_i32_0 = arith.constant 0 : i32
    %c0_i32_1 = arith.constant 0 : i32
    return %c1_i32, %c0_i32, %c0_i32_0 : i32, i32, i32
  }
  func.func @transform_3(%arg0: i32) -> (i32, i32) {
    %c0_i32 = arith.constant 0 : i32
    %c0_i32_0 = arith.constant 0 : i32
    %c0_i32_1 = arith.constant 0 : i32
    return %c0_i32, %c0_i32_0 : i32, i32
  }
  func.func @transform_4(%arg0: i32) -> (i32, i32) {
    %c0_i32 = arith.constant 0 : i32
    %c0_i32_0 = arith.constant 0 : i32
    %c0_i32_1 = arith.constant 0 : i32
    return %c0_i32, %c0_i32_0 : i32, i32
  }
  func.func @transform_5(%arg0: i32) -> (i32, i32) {
    %c0_i32 = arith.constant 0 : i32
    %c0_i32_0 = arith.constant 0 : i32
    %c0_i32_1 = arith.constant 0 : i32
    return %c0_i32, %c0_i32_0 : i32, i32
  }
  func.func @transform_6(%arg0: i32) -> (i32, i32) {
    %c0_i32 = arith.constant 0 : i32
    %c0_i32_0 = arith.constant 0 : i32
    %c0_i32_1 = arith.constant 0 : i32
    return %c0_i32, %c0_i32_0 : i32, i32
  }
  func.func @transform_7(%arg0: i32) -> (i32, i32) {
    %c0_i32 = arith.constant 0 : i32
    %c0_i32_0 = arith.constant 0 : i32
    %c0_i32_1 = arith.constant 0 : i32
    return %c0_i32, %c0_i32_0 : i32, i32
  }
  func.func @transform_8(%arg0: i32) -> (i32, i32) {
    %c0_i32 = arith.constant 0 : i32
    %c0_i32_0 = arith.constant 0 : i32
    %c0_i32_1 = arith.constant 0 : i32
    return %c0_i32, %c0_i32_0 : i32, i32
  }
  func.func @transform_9(%arg0: i32) -> (i32, i32) {
    %c0_i32 = arith.constant 0 : i32
    %c0_i32_0 = arith.constant 0 : i32
    %c0_i32_1 = arith.constant 0 : i32
    return %c0_i32, %c0_i32_0 : i32, i32
  }
  func.func @transform_10(%arg0: i32) -> (i32, i32) {
    %c0_i32 = arith.constant 0 : i32
    %c0_i32_0 = arith.constant 0 : i32
    %c0_i32_1 = arith.constant 0 : i32
    return %c0_i32, %c0_i32_0 : i32, i32
  }
  func.func @transform_11(%arg0: i32) -> (i32, i32) {
    %c0_i32 = arith.constant 0 : i32
    %c0_i32_0 = arith.constant 0 : i32
    %c0_i32_1 = arith.constant 0 : i32
    return %c0_i32, %c0_i32_0 : i32, i32
  }
}

</mosaic_0001>

<sc_bundles>
// kernel: kernel.6.cloned.1.call-start
scs
__scs_entry_jumppad:
0x0: {  	(pc) =	sbr.rel $0x88, $3  }
0x1: {  	(tag) =	ssettag $0x0;
	lr =	simm.s32 $0x1  }
0x2: {  	[smem:$0x3F92] =	sst lr;
	_ =	strace $0xD0000000  }
0x3: {  	_ = 	snop  }
0x4: {  	_ = 	snop  }
0x5: {  	_ = 	snop  }
0x6: {  	_ = 	snop  }
0x7: {  	_ = 	snop  }
__scs_overlays_trampoline_lowered:
0x8: {  	[smem:$0x3FA1] =	sst s0  }
0x9: {  	[smem:$0x3FA2] =	sst s1  }
0xa: {  	[smem:$0x3FA3] =	sst s2  }
0xb: {  	[smem:$0x3FA4] =	sst s3  }
0xc: {  	[smem:$0x3FA5] =	sst s4  }
0xd: {  	[smem:$0x3FA6] =	sst s5  }
0xe: {  	[smem:$0x3FA7] =	sst s6  }
0xf: {  	[smem:$0x3FA8] =	sst s7  }
0x10: {  	[smem:$0x3FA9] =	sst s8  }
0x11: {  	[smem:$0x3FAA] =	sst s9;
	s0 =	simm.s32 @!p0 $0x0  }
0x12: {  	s1 =	sld [smem:$0x3F90];
	s0 =	simm.s32 @p0 $0x1  }
0x13: {  	[smem:$0x3FAB] =	sst s0;
	s0 =	simm.s32 @!p1 $0x0  }
0x14: {  	s2 =	sld [smem:$0x3F8F];
	s0 =	simm.s32 @p1 $0x1  }
0x15: {  	[smem:$0x3FAC] =	sst s0;
	s0 =	simm.s32 @!p2 $0x0  }
0x16: {  	s3 =	sld [smem:$0x3FDB];
	s0 =	simm.s32 @p2 $0x1  }
0x17: {  	s4 =	simm.s32 $0x1BF5;
	[smem:$0x3FAE] =	sst s0  }
0x18: {  	s0 =	sld [smem:$0x3F91];
	_ =	swait.ge [sflag:s4], $0x0  }
0x19: {  	s7 =	sld [smem:$0x3F92]  }
0x1a: {  	s8 =	sadd.s32 $0xFFFFE003, lr  }
0x1b: {  	s9 =	sadd.s32 $0xFFFFFEF7, lr;
	s5 =	simm.s32 $0xFFFFFFFF;
	p2 =	slt.u32 s8, $0xFFFFF086  }
0x1c: {  	p1 =	slt.u32 s9, $0xF7A;
	s5 =	simm.s32 @!p2 $0x0  }
0x1d: {  	s5 =	simm.s32 @p1 $0x1;
	p0 =	seq.s32 s7, s2  }
0x1e: {  	s7 =	smul.u32 @!p0 $0xF7A, s2;
	p2 =	seq.s32 @!p0 s5, $0x0  }
0x1f: {  	s9 =	smul.u32 $0xF7A, s1;
	s8 =	simm.s32 @!p0 $0x1BF5;
	p2 =	por !p2, p0  }
0x20: {  	[sflag:s8] =	ssyncset.s32 @!p0 $0xFFFFF086;
	s6 =	sadd.s32 @!p0 s3, s7;
	s7 =	simm.s32 @!p0 $0x108  }
0x21: {  	s3 =	sadd.s32 s3, s9;
	s6 =	sadd.s32 @!p0 $0x88, s6;
	s7 =	simm.s32 @p2 $0x1082  }
0x22: {  	[simem:s7], [sflag:s8] =	dma.local @!p0 [hbm:s6], $0xF7A  }
0x23: {  	s9 =	sor.u32 $0xD0000000, s2;
	s6 =	simm.s32 $0x108;
	_ =	swait.ge @!p0 [sflag:s8], $0x0  }
0x24: {  	s3 =	sadd.s32 $0x88, s3;
	s6 =	simm.s32 @!p1 $0x1082;
	[sflag:s4] =	ssyncset.s32 $0xFFFFF086  }
0x25: {  	[simem:s6], [sflag:s4] =	dma.local [hbm:s3], $0xF7A  }
0x26: {  	[smem:$0x3F92] =	sst s1;
	(tag) =	ssettag s2;
	_ =	strace s9  }
0x27: {  	s1 =	sld [smem:$0x3FA2]  }
0x28: {  	s2 =	sld [smem:$0x3FA3]  }
0x29: {  	s4 =	sld [smem:$0x3FA5]  }
0x2a: {  	p0 =	seq.s32 s5, $0x0;
	s5 =	sld [smem:$0x3FA6]  }
0x2b: {  	s6 =	sld [smem:$0x3FA7]  }
0x2c: {  	s7 =	sld [smem:$0x3FA8]  }
0x2d: {  	s3 =	simm.s32 $0x108;
	s8 =	sld [smem:$0x3FA9]  }
0x2e: {  	s3 =	simm.s32 @!p0 $0x1082;
	s9 =	sld [smem:$0x3FAA]  }
0x2f: {  	lr =	sadd.s32 s0, s3;
	s0 =	sld [smem:$0x3FA1]  }
0x30: {  	s3 =	sld [smem:$0x3FA4]  }
0x31: {  	[smem:$0x3FAD] =	sst s10  }
0x32: {  	s10 =	sld [smem:$0x3FAB];
	_ =	sdelay $0x3  }
0x33: {  	p0 =	seq.s32 s10, $0x1;
	s10 =	sld [smem:$0x3FAD];
	_ =	sdelay $0x3  }
0x34: {  	[smem:$0x3FAD] =	sst s10  }
0x35: {  	s10 =	sld [smem:$0x3FAC];
	_ =	sdelay $0x3  }
0x36: {  	p1 =	seq.s32 s10, $0x1;
	s10 =	sld [smem:$0x3FAD];
	_ =	sdelay $0x3  }
0x37: {  	[smem:$0x3FAD] =	sst s10  }
0x38: {  	s10 =	sld [smem:$0x3FAE]  }
0x39: {  	_ = 	snop;
	(pc) =	sbr.ind lr, $3  }
0x3a: {  	_ = 	snop  }
0x3b: {  	_ = 	snop  }
0x3c: {  	p2 =	seq.s32 s10, $0x1;
	s10 =	sld [smem:$0x3FAD]  }
0x3d: {  	_ =	shalt  }
0x3e: {  	_ =	shalt  }
0x3f: {  	_ =	shalt  }
0x40: {  	_ =	shalt  }
0x41: {  	_ =	shalt  }
0x42: {  	_ =	shalt  }
0x43: {  	_ =	shalt  }
0x44: {  	_ =	shalt  }
0x45: {  	_ =	shalt  }
0x46: {  	_ =	shalt  }
0x47: {  	_ =	shalt  }
0x48: {  	_ =	shalt  }
0x49: {  	_ =	shalt  }
0x4a: {  	_ =	shalt  }
0x4b: {  	_ =	shalt  }
0x4c: {  	_ =	shalt  }
0x4d: {  	_ =	shalt  }
0x4e: {  	_ =	shalt  }
0x4f: {  	_ =	shalt  }
0x50: {  	_ =	shalt  }
0x51: {  	_ =	shalt  }
0x52: {  	_ =	shalt  }
0x53: {  	_ =	shalt  }
0x54: {  	_ =	shalt  }
0x55: {  	_ =	shalt  }
0x56: {  	_ =	shalt  }
0x57: {  	_ =	shalt  }
0x58: {  	_ =	shalt  }
0x59: {  	_ =	shalt  }
0x5a: {  	_ =	shalt  }
0x5b: {  	_ =	shalt  }
0x5c: {  	_ =	shalt  }
0x5d: {  	_ =	shalt  }
0x5e: {  	_ =	shalt  }
0x5f: {  	_ =	shalt  }
0x60: {  	_ =	shalt  }
0x61: {  	_ =	shalt  }
0x62: {  	_ =	shalt  }
0x63: {  	_ =	shalt  }
0x64: {  	_ =	shalt  }
0x65: {  	_ =	shalt  }
0x66: {  	_ =	shalt  }
0x67: {  	_ =	shalt  }
0x68: {  	_ =	shalt  }
0x69: {  	_ =	shalt  }
0x6a: {  	_ =	shalt  }
0x6b: {  	_ =	shalt  }
0x6c: {  	_ =	shalt  }
0x6d: {  	_ =	shalt  }
0x6e: {  	_ =	shalt  }
0x6f: {  	_ =	shalt  }
0x70: {  	_ =	shalt  }
0x71: {  	_ =	shalt  }
0x72: {  	_ =	shalt  }
0x73: {  	_ =	shalt  }
0x74: {  	_ =	shalt  }
0x75: {  	_ =	shalt  }
0x76: {  	_ =	shalt  }
0x77: {  	_ =	shalt  }
0x78: {  	_ =	shalt  }
0x79: {  	_ =	shalt  }
0x7a: {  	_ =	shalt  }
0x7b: {  	_ =	shalt  }
0x7c: {  	_ =	shalt  }
0x7d: {  	_ =	shalt  }
0x7e: {  	_ =	shalt  }
0x7f: {  	_ =	shalt  }
0x80: {  	_ =	shalt  }
0x81: {  	_ =	shalt  }
0x82: {  	_ =	shalt  }
0x83: {  	_ =	shalt  }
0x84: {  	_ =	shalt  }
0x85: {  	_ =	shalt  }
0x86: {  	_ =	shalt  }
0x87: {  	_ =	shalt  }
.Lfunc_end0:
.L_simem_size_0:
called_computation.1_lowered:
.L_overlay_start_0:
0x88: {  	s2 =	sld [smem:$0x3FD9]  }
0x89: {  	s3 =	sld [smem:$0x3FFE];
	_ =	sdelay $0x1  }
0x8a: {  	s1 =	srdreg.scid  }
0x8b: {  	s0 =	sand.u32 $0x1, s1  }
0x8c: {  	s14 =	sshll.u32 s0, $0xA;
	s2 =	sadd.s32 s3, s2  }
0x8d: {  	s2 =	sadd.s32 s2, s14  }
0x8e: {  	[smem:$0x3FB9] =	sst s2  }
0x8f: {  	_ = 	snop  }
0x90: {  	s2 =	sld [smem:$0x3FD0];
	_ =	sdelay $0x2  }
0x91: {  	s15 =	simm.s32 $0xB;
	s4 =	simm.s32 $0x10  }
0x92: {  	[smem:s4], [sflag:s15] =	dma.local [hbm:s2], $0x1  }
0x93: {  	_ =	swait.eq [sflag:s15], $0x1  }
0x94: {  	[sflag:s15] =	ssyncset.done $0x0  }
0x95: {  	[sflag:s15] =	ssyncadd.s32 $0xFFFFFFFF  }
0x96: {  	s16 =	sld [smem:$0x10];
	(tm) =	ssettm $0x1  }
0x97: {  	s17 =	sld [smem:$0x3FFB];
	_ =	sdelay $0x3  }
0x98: {  	_ =	strace s17  }
0x99: {  	s3 =	sld [smem:$0x3FFC];
	_ =	sdelay $0x3  }
0x9a: {  	_ =	strace s3  }
0x9b: {  	s3 =	sld [smem:$0x3FFD];
	_ =	sdelay $0x3  }
0x9c: {  	_ =	strace s3  }
0x9d: {  	_ =	strace $0x8FFFFFFF  }
0x9e: {  	s18 =	sld [smem:$0x3FDB];
	_ =	sdelay $0x1  }
0x9f: {  	s19 =	simm.s32 $_scs_section_size  }
0xa0: {  	s5 =	simm.s32 $_size__tile_overlayer_lowered;
	s6 =	simm.s32 $_tile_overlayer_lowered  }
0xa1: {  	s22 =	simm.s32 $0x1BFF;
	s21 =	sshll.u32 s6, $0x1;
	s3 =	sadd.s32 s19, s18  }
0xa2: {  	s7 =	simm.s32 $0x0;
	s20 =	sshll.u32 s5, $0x1;
	s5 =	sadd.s32 s21, s3  }
0xa3: {  	[timem:s7], [sflag:s22] =	dma.local [hbm:s5], s20  }
0xa4: {  	_ =	swait.ge [sflag:s22], s20  }
0xa5: {  	s4 =	ssub.s32 $0x0, s20;
	[sflag:s22] =	ssyncset.done $0x0  }
0xa6: {  	[sflag:s22] =	ssyncadd.s32 s4;
	_ =	sdelay $0x1  }
0xa7: {  	s23 =	simm.s32 $0x1B8B  }
0xa8: {  	_ =	swait.ge [sflag:s23], $0x1  }
0xa9: {  	[sflag:s23] =	ssyncset.done $0x0  }
0xaa: {  	s25 =	simm.s32 $0x1B8E;
	s24 =	sld [smem:$0x3FFE];
	[sflag:s23] =	ssyncadd.s32 $0xFFFFFFFF  }
0xab: {  	s26 =	simm.s32 $execute0_lowered;
	[smem:$0x3FD2] =	sst s25  }
0xac: {  	s5 =	sshll.u32 s26, $0x1;
	_ =	strace $0x80000046;
	[dreg:$0x1] =	wrdreg $0xFFFFFFFF  }
0xad: {  	s28 =	simm.s32 $_size_execute0_lowered;
	s3 =	sadd.s32 s3, s5;
	[dreg:$0x0] =	wrdreg $0x0  }
0xae: {  	s5 =	sshll.u32 s28, $0x1;
	[dreg:$0x2] =	wrdreg s3  }
0xaf: {  	[dreg:$0x3] =	wrdreg s5  }
0xb0: {  	[dreg:$0x4] =	wrdreg $0xC0  }
0xb1: {  	_ =	task [dreg:s7], $0x5FFFF  }
0xb2: {  	[dreg:$0x1] =	wrdreg $0xFFFFFFFF  }
0xb3: {  	[dreg:$0x0] =	wrdreg $0x60  }
0xb4: {  	[dreg:$0x2] =	wrdreg s16  }
0xb5: {  	[dreg:$0x3] =	wrdreg s24  }
0xb6: {  	[dreg:$0x4] =	wrdreg $0x9  }
0xb7: {  	_ =	task.clear_ibuf [dreg:s7], $0x5FFFF;
	_ =	strace $0x90000046  }
0xb8: {  	s29 =	simm.s32 $0x9;
	_ =	strace $0x80000048  }
0xb9: {  	_ =	swait.ge [sflag:s29], $0x1  }
0xba: {  	[sflag:s29] =	ssyncadd.s32 $0xFFFFFFFF  }
0xbb: {  	_ =	strace $0x90000048  }
0xbc: {  	_ =	sfence  }
0xbd: {  	s30 =	sld [smem:$0x0];
	_ =	sdelay $0x2  }
0xbe: {  	s31 =	sshll.u32 s1, $0xD;
	s1 =	sshrl.u32 s1, $0x2  }
0xbf: {  	s3 =	sand.u32 $0x4000, s31;
	s1 =	sadd.s32 s1, s30  }
0xc0: {  	s0 =	sor.u32 s3, s0;
	s1 =	sshll.u32 s1, $0x11  }
0xc1: {  	s0 =	sor.u32 s1, s0  }
0xc2: {  	s0 =	sadd.s32 $0x8F2B, s0  }
0xc3: {  	[sflag:s0] =	ssyncadd.remote.s32 $0x1  }
0xc4: {  	_ =	sfence.sel $0xFFFF  }
0xc5: {  	[dreg:$0x0] =	wrdreg $0xFFFFFFFF;
	(pc) =	sbr.abs _section_cstart, $3  }
0xc6: {  	[dreg:$0x1] =	wrdreg $0xFFFFFFFF  }
0xc7: {  	_ =	task.clear_ibuf [dreg:s7], $0x2FFFF;
	_ =	strace $0x9FFFFFFF  }
0xc8: {  	(tm) =	ssettm $0x7FFFFFFF  }
0xc9: {  	_ =	shalt  }
tec
execute0_lowered:
.L_overlay_start_1:
0x0: {  	(tag) =	ssettag $0x1  }
0x1: {  	s1 =	rddreg [dreg:$0x0]  }
0x2: {  	s4 =	rddreg [dreg:$0x1];
	s2 =	srdreg.scid  }
0x3: {  	s0 =	rddreg [dreg:$0x2];
	s5 =	sand.u32 $0x1, s2  }
0x4: {  	s2 =	stileid.u32;
	s6 =	smul.u32 $0xC3500, s5  }
0x5: {  	s3 =	simm.s32 $0x0;
	s10 =	simm.s32 $0x0;
	s7 =	smul.u32 $0xC350, s2  }
0x6: {  	[smem:$0x7FF] =	sst s3;
	s8 =	smul.u32 $0x186A00, s5;
	s5 =	ssub.s32 $0x2, s5  }
0x7: {  	_ =	strace $0x80000047;
	s9 =	smul.u32 $0x186A0, s2;
	s30 =	sshrl.u32 s5, $0x1  }
0x8: {  	s6 =	sadd.s32 s7, s6;
	s8 =	sadd.s32 s8, s4;
	s5 =	ssub.s32 s5, s30  }
0x9: {  	s7 =	simm.s32 $0x2;
	s6 =	sshrl.u32 s6, $0x3;
	s31 =	sadd.s32 s9, s8  }
0xa: {  	s8 =	simm.s32 $0x7D0;
	s9 =	simm.s32 $0x1;
	s6 =	sadd.s32 s6, s4  }
0xb: {  	s4 =	smax.u32 s5, $0x1;
	s5 =	sadd.s32 $0xF8A00, s31;
	s6 =	sadd.s32 $0xC7C00, s6  }
.LBB2_1:
0xc: {  	s11 =	sadd.s32 $0x0, s6  }
0xd: {  	[tilespmem:s3], [sflag:$0x2] =	stream.linear.gather [hbm4b:s11+s3], $0x7D0, $0x38;
	[tilespmem:$0x84D0] =	vst v63  }
0xe: {  	_ =	swait.ge [sflag:s7], $0x7D0  }
0xf: {  	[sflag:s7] =	ssyncset.done $0x0  }
0x10: {  	[sflag:s7] =	ssyncadd.s32 $0xFFFFF830  }
0x11: {  	[tilespmem:s8], [sflag:$0x1] =	stream.indirect.gather [hbm4b:s1+s8], $0x10, s3, s8, $0xb8;
	[tilespmem:$0x84D0] =	vst v63  }
0x12: {  	_ =	swait.ge [sflag:s9], $0x7D00  }
0x13: {  	[sflag:s9] =	ssyncset.done $0x0  }
0x14: {  	[sflag:s9] =	ssyncadd.s32 $0xFFFF8300  }
0x15: {  	[hbm4b:s5+s3] =	stream.linear.scatter [tilespmem:s8], [sflag:$0x2], $0x7D00, $0x38;
	[tilespmem:$0x84D0] =	vst v63  }
0x16: {  	s12 =	simm.s32 $0xFA;
	_ =	swait.ge [sflag:s7], $0x7D00  }
0x17: {  	s13 =	simm.s32 $0x1F4;
	s11 =	sadd.s32 $0xFA0, s5;
	[sflag:s7] =	ssyncset.done $0x0  }
.LBB2_2:
0x18: {  	s14 =	sadd.s32 s12, s6  }
0x19: {  	[sflag:s7] =	ssyncadd.s32 $0xFFFF8300;
	s12 =	smov.u32 s13;
	s15 =	sadd.s32 $0xFA, s13  }
0x1a: {  	[tilespmem:s3], [sflag:$0x2] =	stream.linear.gather [hbm4b:s14+s3], $0x7D0, $0x38;
	[tilespmem:$0x84D0] =	vst v63  }
0x1b: {  	p0 =	sne.s32 s13, $0x1770;
	_ =	swait.ge [sflag:s7], $0x7D0  }
0x1c: {  	[sflag:s7] =	ssyncset.done $0x0  }
0x1d: {  	[sflag:s7] =	ssyncadd.s32 $0xFFFFF830  }
0x1e: {  	[tilespmem:s8], [sflag:$0x1] =	stream.indirect.gather [hbm4b:s1+s8], $0x10, s3, s8, $0xb8;
	[tilespmem:$0x84D0] =	vst v63  }
0x1f: {  	_ =	swait.ge [sflag:s9], $0x7D00  }
.Ltmp0:
0x20: {  	[sflag:s9] =	ssyncset.done $0x0;
	(pc) =	sbr.rel @p0 .LBB2_2-.Ltmp0, $4  }
0x21: {  	[sflag:s9] =	ssyncadd.s32 $0xFFFF8300  }
0x22: {  	[hbm4b:s11+s3] =	stream.linear.scatter [tilespmem:s8], [sflag:$0x2], $0x7D00, $0x38;
	[tilespmem:$0x84D0] =	vst v63  }
0x23: {  	_ =	swait.ge [sflag:s7], $0x7D00  }
0x24: {  	s13 =	smov.u32 s15;
	s11 =	sadd.s32 $0xFA0, s11;
	[sflag:s7] =	ssyncset.done $0x0  }
0x25: {  	s12 =	sadd.s32 s12, s6;
	[sflag:s7] =	ssyncadd.s32 $0xFFFF8300  }
0x26: {  	[tilespmem:s3], [sflag:$0x2] =	stream.linear.gather [hbm4b:s12+s3], $0x7D0, $0x38;
	[tilespmem:$0x84D0] =	vst v63  }
0x27: {  	_ =	swait.ge [sflag:s7], $0x7D0  }
0x28: {  	[sflag:s7] =	ssyncset.done $0x0  }
0x29: {  	[sflag:s7] =	ssyncadd.s32 $0xFFFFF830  }
0x2a: {  	[tilespmem:s8], [sflag:$0x1] =	stream.indirect.gather [hbm4b:s1+s8], $0x10, s3, s8, $0xb8;
	[tilespmem:$0x84D0] =	vst v63  }
0x2b: {  	s10 =	sadd.s32 $0x1, s10;
	_ =	swait.ge [sflag:s9], $0x7D00  }
0x2c: {  	p0 =	sne.s32 s10, s4;
	[sflag:s9] =	ssyncset.done $0x0  }
.Ltmp1:
0x2d: {  	[sflag:s9] =	ssyncadd.s32 $0xFFFF8300;
	(pc) =	sbr.rel @p0 .LBB2_1-.Ltmp1, $4  }
0x2e: {  	[hbm4b:s11+s3] =	stream.linear.scatter [tilespmem:s8], [sflag:$0x2], $0x7D00, $0x38;
	[tilespmem:$0x84D0] =	vst v63  }
0x2f: {  	_ =	swait.ge [sflag:s7], $0x7D00  }
0x30: {  	[sflag:s7] =	ssyncset.done $0x0  }
0x31: {  	[sflag:s7] =	ssyncadd.s32 $0xFFFF8300  }
0x32: {  	_ =	sfence.sel $0x180000  }
0x33: {  	[bflag:$0x0] =	sbarrier.arrive $0xFFFF  }
0x34: {  	p0 =	sne.s32 s2, $0x0;
	_ =	strace $0x90000047  }
0x35: {  	s0 =	sadd.s32 @!p0 $0x100000, s0;
	[bflag:$0x2] =	sbarrier.arrive $0xFFFF  }
0x36: {  	[sflag:s0] =	ssyncadd.tile.s32 @!p0 $0x1;
	_ =	shalt  }
.Lfunc_end2:
_tile_overlayer_lowered:
.L_overlay_start_2:
0x37: {  	(tag) =	ssettag $0x2  }
0x38: {  	s0 =	rddreg [dreg:$0x0];
	s2 =	stileid.u32  }
0x39: {  	s1 =	rddreg [dreg:$0x1];
	p0 =	sne.s32 s2, $0x0  }
0x3a: {  	s3 =	rddreg [dreg:$0x2];
	[bflag:$0x3] =	sbarrier.arrive $0xFFFF;
	s2 =	simm.s32 @!p0 $0x1C02  }
0x3b: {  	[timem:s3], [sflag:s2] =	dma.local @!p0 [hbm:s0], s1  }
0x3c: {  	s0 =	simm.s32 @!p0 $0x2  }
0x3d: {  	_ =	swait.ge @!p0 [sflag:s0], s1  }
0x3e: {  	s1 =	ssub.s32 @!p0 $0x0, s1;
	[sflag:s0] =	ssyncset.done @!p0 $0x0  }
0x3f: {  	[sflag:s0] =	ssyncadd.s32 @!p0 s1  }
0x40: {  	[bflag:$0x3] =	sbarrier.arrive $0xFFFF  }
0x41: {  	_ =	shalt  }

// kernel: kernel.9.cloned.1.call-start
scs
__scs_entry_jumppad:
0x0: {  	(pc) =	sbr.rel $0x88, $3  }
0x1: {  	(tag) =	ssettag $0x0;
	lr =	simm.s32 $0x1  }
0x2: {  	[smem:$0x3F92] =	sst lr;
	_ =	strace $0xD0000000  }
0x3: {  	_ = 	snop  }
0x4: {  	_ = 	snop  }
0x5: {  	_ = 	snop  }
0x6: {  	_ = 	snop  }
0x7: {  	_ = 	snop  }
__scs_overlays_trampoline_lowered:
0x8: {  	[smem:$0x3FA1] =	sst s0  }
0x9: {  	[smem:$0x3FA2] =	sst s1  }
0xa: {  	[smem:$0x3FA3] =	sst s2  }
0xb: {  	[smem:$0x3FA4] =	sst s3  }
0xc: {  	[smem:$0x3FA5] =	sst s4  }
0xd: {  	[smem:$0x3FA6] =	sst s5  }
0xe: {  	[smem:$0x3FA7] =	sst s6  }
0xf: {  	[smem:$0x3FA8] =	sst s7  }
0x10: {  	[smem:$0x3FA9] =	sst s8  }
0x11: {  	[smem:$0x3FAA] =	sst s9;
	s0 =	simm.s32 @!p0 $0x0  }
0x12: {  	s1 =	sld [smem:$0x3F90];
	s0 =	simm.s32 @p0 $0x1  }
0x13: {  	[smem:$0x3FAB] =	sst s0;
	s0 =	simm.s32 @!p1 $0x0  }
0x14: {  	s2 =	sld [smem:$0x3F8F];
	s0 =	simm.s32 @p1 $0x1  }
0x15: {  	[smem:$0x3FAC] =	sst s0;
	s0 =	simm.s32 @!p2 $0x0  }
0x16: {  	s3 =	sld [smem:$0x3FDB];
	s0 =	simm.s32 @p2 $0x1  }
0x17: {  	s4 =	simm.s32 $0x1BF5;
	[smem:$0x3FAE] =	sst s0  }
0x18: {  	s0 =	sld [smem:$0x3F91];
	_ =	swait.ge [sflag:s4], $0x0  }
0x19: {  	s7 =	sld [smem:$0x3F92]  }
0x1a: {  	s8 =	sadd.s32 $0xFFFFE003, lr  }
0x1b: {  	s9 =	sadd.s32 $0xFFFFFEF7, lr;
	s5 =	simm.s32 $0xFFFFFFFF;
	p2 =	slt.u32 s8, $0xFFFFF086  }
0x1c: {  	p1 =	slt.u32 s9, $0xF7A;
	s5 =	simm.s32 @!p2 $0x0  }
0x1d: {  	s5 =	simm.s32 @p1 $0x1;
	p0 =	seq.s32 s7, s2  }
0x1e: {  	s7 =	smul.u32 @!p0 $0xF7A, s2;
	p2 =	seq.s32 @!p0 s5, $0x0  }
0x1f: {  	s9 =	smul.u32 $0xF7A, s1;
	s8 =	simm.s32 @!p0 $0x1BF5;
	p2 =	por !p2, p0  }
0x20: {  	[sflag:s8] =	ssyncset.s32 @!p0 $0xFFFFF086;
	s6 =	sadd.s32 @!p0 s3, s7;
	s7 =	simm.s32 @!p0 $0x108  }
0x21: {  	s3 =	sadd.s32 s3, s9;
	s6 =	sadd.s32 @!p0 $0x88, s6;
	s7 =	simm.s32 @p2 $0x1082  }
0x22: {  	[simem:s7], [sflag:s8] =	dma.local @!p0 [hbm:s6], $0xF7A  }
0x23: {  	s9 =	sor.u32 $0xD0000000, s2;
	s6 =	simm.s32 $0x108;
	_ =	swait.ge @!p0 [sflag:s8], $0x0  }
0x24: {  	s3 =	sadd.s32 $0x88, s3;
	s6 =	simm.s32 @!p1 $0x1082;
	[sflag:s4] =	ssyncset.s32 $0xFFFFF086  }
0x25: {  	[simem:s6], [sflag:s4] =	dma.local [hbm:s3], $0xF7A  }
0x26: {  	[smem:$0x3F92] =	sst s1;
	(tag) =	ssettag s2;
	_ =	strace s9  }
0x27: {  	s1 =	sld [smem:$0x3FA2]  }
0x28: {  	s2 =	sld [smem:$0x3FA3]  }
0x29: {  	s4 =	sld [smem:$0x3FA5]  }
0x2a: {  	p0 =	seq.s32 s5, $0x0;
	s5 =	sld [smem:$0x3FA6]  }
0x2b: {  	s6 =	sld [smem:$0x3FA7]  }
0x2c: {  	s7 =	sld [smem:$0x3FA8]  }
0x2d: {  	s3 =	simm.s32 $0x108;
	s8 =	sld [smem:$0x3FA9]  }
0x2e: {  	s3 =	simm.s32 @!p0 $0x1082;
	s9 =	sld [smem:$0x3FAA]  }
0x2f: {  	lr =	sadd.s32 s0, s3;
	s0 =	sld [smem:$0x3FA1]  }
0x30: {  	s3 =	sld [smem:$0x3FA4]  }
0x31: {  	[smem:$0x3FAD] =	sst s10  }
0x32: {  	s10 =	sld [smem:$0x3FAB];
	_ =	sdelay $0x3  }
0x33: {  	p0 =	seq.s32 s10, $0x1;
	s10 =	sld [smem:$0x3FAD];
	_ =	sdelay $0x3  }
0x34: {  	[smem:$0x3FAD] =	sst s10  }
0x35: {  	s10 =	sld [smem:$0x3FAC];
	_ =	sdelay $0x3  }
0x36: {  	p1 =	seq.s32 s10, $0x1;
	s10 =	sld [smem:$0x3FAD];
	_ =	sdelay $0x3  }
0x37: {  	[smem:$0x3FAD] =	sst s10  }
0x38: {  	s10 =	sld [smem:$0x3FAE]  }
0x39: {  	_ = 	snop;
	(pc) =	sbr.ind lr, $3  }
0x3a: {  	_ = 	snop  }
0x3b: {  	_ = 	snop  }
0x3c: {  	p2 =	seq.s32 s10, $0x1;
	s10 =	sld [smem:$0x3FAD]  }
0x3d: {  	_ =	shalt  }
0x3e: {  	_ =	shalt  }
0x3f: {  	_ =	shalt  }
0x40: {  	_ =	shalt  }
0x41: {  	_ =	shalt  }
0x42: {  	_ =	shalt  }
0x43: {  	_ =	shalt  }
0x44: {  	_ =	shalt  }
0x45: {  	_ =	shalt  }
0x46: {  	_ =	shalt  }
0x47: {  	_ =	shalt  }
0x48: {  	_ =	shalt  }
0x49: {  	_ =	shalt  }
0x4a: {  	_ =	shalt  }
0x4b: {  	_ =	shalt  }
0x4c: {  	_ =	shalt  }
0x4d: {  	_ =	shalt  }
0x4e: {  	_ =	shalt  }
0x4f: {  	_ =	shalt  }
0x50: {  	_ =	shalt  }
0x51: {  	_ =	shalt  }
0x52: {  	_ =	shalt  }
0x53: {  	_ =	shalt  }
0x54: {  	_ =	shalt  }
0x55: {  	_ =	shalt  }
0x56: {  	_ =	shalt  }
0x57: {  	_ =	shalt  }
0x58: {  	_ =	shalt  }
0x59: {  	_ =	shalt  }
0x5a: {  	_ =	shalt  }
0x5b: {  	_ =	shalt  }
0x5c: {  	_ =	shalt  }
0x5d: {  	_ =	shalt  }
0x5e: {  	_ =	shalt  }
0x5f: {  	_ =	shalt  }
0x60: {  	_ =	shalt  }
0x61: {  	_ =	shalt  }
0x62: {  	_ =	shalt  }
0x63: {  	_ =	shalt  }
0x64: {  	_ =	shalt  }
0x65: {  	_ =	shalt  }
0x66: {  	_ =	shalt  }
0x67: {  	_ =	shalt  }
0x68: {  	_ =	shalt  }
0x69: {  	_ =	shalt  }
0x6a: {  	_ =	shalt  }
0x6b: {  	_ =	shalt  }
0x6c: {  	_ =	shalt  }
0x6d: {  	_ =	shalt  }
0x6e: {  	_ =	shalt  }
0x6f: {  	_ =	shalt  }
0x70: {  	_ =	shalt  }
0x71: {  	_ =	shalt  }
0x72: {  	_ =	shalt  }
0x73: {  	_ =	shalt  }
0x74: {  	_ =	shalt  }
0x75: {  	_ =	shalt  }
0x76: {  	_ =	shalt  }
0x77: {  	_ =	shalt  }
0x78: {  	_ =	shalt  }
0x79: {  	_ =	shalt  }
0x7a: {  	_ =	shalt  }
0x7b: {  	_ =	shalt  }
0x7c: {  	_ =	shalt  }
0x7d: {  	_ =	shalt  }
0x7e: {  	_ =	shalt  }
0x7f: {  	_ =	shalt  }
0x80: {  	_ =	shalt  }
0x81: {  	_ =	shalt  }
0x82: {  	_ =	shalt  }
0x83: {  	_ =	shalt  }
0x84: {  	_ =	shalt  }
0x85: {  	_ =	shalt  }
0x86: {  	_ =	shalt  }
0x87: {  	_ =	shalt  }
.Lfunc_end0:
.L_simem_size_0:
called_computation.2_lowered:
.L_overlay_start_0:
0x88: {  	s2 =	sld [smem:$0x3FD9]  }
0x89: {  	s3 =	sld [smem:$0x3FFE];
	_ =	sdelay $0x1  }
0x8a: {  	s1 =	srdreg.scid  }
0x8b: {  	s0 =	sand.u32 $0x1, s1  }
0x8c: {  	s14 =	sshll.u32 s0, $0xA;
	s2 =	sadd.s32 s3, s2  }
0x8d: {  	s2 =	sadd.s32 s2, s14  }
0x8e: {  	[smem:$0x3FB9] =	sst s2  }
0x8f: {  	_ = 	snop  }
0x90: {  	s2 =	sld [smem:$0x3FD0];
	_ =	sdelay $0x2  }
0x91: {  	s15 =	simm.s32 $0xB;
	s4 =	simm.s32 $0x10  }
0x92: {  	[smem:s4], [sflag:s15] =	dma.local [hbm:s2], $0x1  }
0x93: {  	_ =	swait.eq [sflag:s15], $0x1  }
0x94: {  	[sflag:s15] =	ssyncset.done $0x0  }
0x95: {  	[sflag:s15] =	ssyncadd.s32 $0xFFFFFFFF  }
0x96: {  	s16 =	sld [smem:$0x10];
	(tm) =	ssettm $0x1  }
0x97: {  	s17 =	sld [smem:$0x3FFB];
	_ =	sdelay $0x3  }
0x98: {  	_ =	strace s17  }
0x99: {  	s3 =	sld [smem:$0x3FFC];
	_ =	sdelay $0x3  }
0x9a: {  	_ =	strace s3  }
0x9b: {  	s3 =	sld [smem:$0x3FFD];
	_ =	sdelay $0x3  }
0x9c: {  	_ =	strace s3  }
0x9d: {  	_ =	strace $0x8FFFFFFF  }
0x9e: {  	s18 =	sld [smem:$0x3FDB];
	_ =	sdelay $0x1  }
0x9f: {  	s19 =	simm.s32 $_scs_section_size  }
0xa0: {  	s5 =	simm.s32 $_size__tile_overlayer_lowered;
	s6 =	simm.s32 $_tile_overlayer_lowered  }
0xa1: {  	s22 =	simm.s32 $0x1BFF;
	s21 =	sshll.u32 s6, $0x1;
	s3 =	sadd.s32 s19, s18  }
0xa2: {  	s7 =	simm.s32 $0x0;
	s20 =	sshll.u32 s5, $0x1;
	s5 =	sadd.s32 s21, s3  }
0xa3: {  	[timem:s7], [sflag:s22] =	dma.local [hbm:s5], s20  }
0xa4: {  	_ =	swait.ge [sflag:s22], s20  }
0xa5: {  	s4 =	ssub.s32 $0x0, s20;
	[sflag:s22] =	ssyncset.done $0x0  }
0xa6: {  	[sflag:s22] =	ssyncadd.s32 s4;
	_ =	sdelay $0x1  }
0xa7: {  	s23 =	simm.s32 $0x1B8B  }
0xa8: {  	_ =	swait.ge [sflag:s23], $0x1  }
0xa9: {  	[sflag:s23] =	ssyncset.done $0x0  }
0xaa: {  	s25 =	simm.s32 $0x1B8E;
	s24 =	sld [smem:$0x3FFE];
	[sflag:s23] =	ssyncadd.s32 $0xFFFFFFFF  }
0xab: {  	s26 =	simm.s32 $execute0_lowered;
	[smem:$0x3FD2] =	sst s25  }
0xac: {  	s5 =	sshll.u32 s26, $0x1;
	_ =	strace $0x80000049;
	[dreg:$0x1] =	wrdreg $0xFFFFFFFF  }
0xad: {  	s28 =	simm.s32 $_size_execute0_lowered;
	s3 =	sadd.s32 s3, s5;
	[dreg:$0x0] =	wrdreg $0x0  }
0xae: {  	s5 =	sshll.u32 s28, $0x1;
	[dreg:$0x2] =	wrdreg s3  }
0xaf: {  	[dreg:$0x3] =	wrdreg s5  }
0xb0: {  	[dreg:$0x4] =	wrdreg $0xC0  }
0xb1: {  	_ =	task [dreg:s7], $0x5FFFF  }
0xb2: {  	[dreg:$0x1] =	wrdreg $0xFFFFFFFF  }
0xb3: {  	[dreg:$0x0] =	wrdreg $0x60  }
0xb4: {  	[dreg:$0x2] =	wrdreg s24  }
0xb5: {  	[dreg:$0x3] =	wrdreg s16  }
0xb6: {  	[dreg:$0x4] =	wrdreg $0x84D00  }
0xb7: {  	[dreg:$0x5] =	wrdreg $0xA  }
0xb8: {  	_ =	task.clear_ibuf [dreg:s7], $0x6FFFF;
	_ =	strace $0x90000049  }
0xb9: {  	s29 =	simm.s32 $0xA;
	_ =	strace $0x8000004B  }
0xba: {  	_ =	swait.ge [sflag:s29], $0x1  }
0xbb: {  	[sflag:s29] =	ssyncadd.s32 $0xFFFFFFFF  }
0xbc: {  	_ =	strace $0x9000004B  }
0xbd: {  	_ =	sfence  }
0xbe: {  	s30 =	sld [smem:$0x0];
	_ =	sdelay $0x2  }
0xbf: {  	s31 =	sshll.u32 s1, $0xD;
	s1 =	sshrl.u32 s1, $0x2  }
0xc0: {  	s3 =	sand.u32 $0x4000, s31;
	s1 =	sadd.s32 s1, s30  }
0xc1: {  	s0 =	sor.u32 s3, s0;
	s1 =	sshll.u32 s1, $0x11  }
0xc2: {  	s0 =	sor.u32 s1, s0  }
0xc3: {  	s0 =	sadd.s32 $0x8F2B, s0  }
0xc4: {  	[sflag:s0] =	ssyncadd.remote.s32 $0x1  }
0xc5: {  	_ =	sfence.sel $0xFFFF  }
0xc6: {  	[dreg:$0x0] =	wrdreg $0xFFFFFFFF;
	(pc) =	sbr.abs _section_cstart, $3  }
0xc7: {  	[dreg:$0x1] =	wrdreg $0xFFFFFFFF  }
0xc8: {  	_ =	task.clear_ibuf [dreg:s7], $0x2FFFF;
	_ =	strace $0x9FFFFFFF  }
0xc9: {  	(tm) =	ssettm $0x7FFFFFFF  }
tec
execute0_lowered:
.L_overlay_start_1:
0x0: {  	(tag) =	ssettag $0x1  }
0x1: {  	s5 =	rddreg [dreg:$0x0]  }
0x2: {  	s2 =	rddreg [dreg:$0x1];
	s1 =	stileid.u32  }
0x3: {  	s3 =	rddreg [dreg:$0x2];
	s6 =	smul.u32 $0x186A0, s1  }
0x4: {  	s0 =	rddreg [dreg:$0x3];
	s4 =	simm.s32 $0x0;
	s7 =	smul.u32 $0x186A, s1  }
0x5: {  	s8 =	srdreg.scid;
	s18 =	simm.s32 $0x0;
	s9 =	smul.u32 $0x32000, s1  }
0x6: {  	[smem:$0x7FF] =	sst s4;
	s8 =	sand.u32 $0x1, s8;
	s13 =	smul.u32 $0xC800, s1  }
0x7: {  	s14 =	sadd.s32 $0xF8A00, s5;
	s16 =	sadd.s32 $0xBB800, s3;
	p1 =	seq.s32 s1, $0xF  }
0x8: {  	_ =	strace $0x8000004A;
	s26 =	ssub.s32 $0x2, s8;
	s11 =	smul.u32 $0xC3500, s8  }
0x9: {  	p0 =	seq.s32 s8, $0x1;
	s10 =	sadd.s32 s6, s5;
	s12 =	sadd.s32 s7, s5  }
0xa: {  	s28 =	sshrl.u32 s26, $0x1;
	s29 =	sshrl.u32 s9, $0x2;
	s17 =	sadd.s32 s13, s3  }
0xb: {  	s7 =	ssub.s32 s26, s28;
	s15 =	sadd.s32 s29, s3;
	s30 =	sadd.s32 s13, s11  }
0xc: {  	s31 =	sshrl.u32 s11, $0x3;
	s8 =	sadd.s32 $0x5A0A00, s10;
	s9 =	sadd.s32 $0xC7C00, s12  }
.Ltmp0:
0xd: {  	s10 =	sadd.s32 $0x727400, s10;
	s11 =	sadd.s32 $0xE02A0, s12;
	(pc) =	sbr.rel .LBB2_1-.Ltmp0, $4  }
0xe: {  	s12 =	sshrl.u32 @p1 s16, $0x3;
	s13 =	sshll.u32 @!p1 s1, $0x6;
	s16 =	simm.s32 $0x7D0  }
0xf: {  	s17 =	sshrl.u32 @!p1 s17, $0x3;
	s5 =	sshrl.u32 s30, $0x3;
	s6 =	sadd.s32 s14, s31  }
0x10: {  	s7 =	smax.u32 s7, $0x1;
	s13 =	sor.u32 @!p1 $0x1C01, s13;
	s5 =	sadd.s32 s14, s5  }
0x11: {  	s6 =	sadd.s32 $0x17700, s6;
	s14 =	sshrl.u32 @!p1 s15, $0x3;
	s15 =	simm.s32 $0x1  }
.LBB2_7:
0x12: {  	s20 =	sadd.s32 s20, s11;
	[sflag:s15] =	ssyncadd.s32 $0xFFFF8300  }
0x13: {  	[tilespmem:s4], [sflag:$0x1] =	stream.linear.gather [hbm4b:s20+s4], $0x7D0, $0x38;
	[tilespmem:$0x14820] =	vst v63  }
0x14: {  	_ =	swait.ge [sflag:s15], $0x7D0  }
0x15: {  	[sflag:s15] =	ssyncset.done $0x0  }
0x16: {  	[sflag:s15] =	ssyncadd.s32 $0xFFFFF830  }
0x17: {  	[tilespmem:s16], [sflag:$0x1] =	stream.linear.gather [hbm4b:s19+s4], $0x7D00, $0x38;
	[tilespmem:$0x14820] =	vst v63  }
0x18: {  	_ =	swait.ge [sflag:s15], $0x7D00  }
0x19: {  	[sflag:s15] =	ssyncset.done $0x0  }
0x1a: {  	[sflag:s15] =	ssyncadd.s32 $0xFFFF8300  }
0x1b: {  	[spmem:s3] =	stream.indirect.scatter.add.f32 [tilespmem:s16], [sflag:$0x1], $0x10, s4, s16, $0xb8;
	[tilespmem:$0x14820] =	vst v63  }
0x1c: {  	_ =	swait.ge [sflag:s15], $0x7D00  }
0x1d: {  	[sflag:s15] =	ssyncset.done $0x0  }
0x1e: {  	[sflag:s15] =	ssyncadd.s32 $0xFFFF8300  }
.LBB2_8:
0x1f: {  	[bflag:$0x0] =	sbarrier.arrive $0xFFFF;
	s19 =	simm.s32 @p1 $0x1FC1  }
0x20: {  	[hbm:s6], [sflag:s19] =	dma.local @p1 [spmem:s12], $0xFA0  }
0x21: {  	s19 =	simm.s32 @p1 $0x1  }
0x22: {  	s18 =	sadd.s32 $0x1, s18;
	_ =	swait.ge @p1 [sflag:s19], $0xFA0  }
0x23: {  	p2 =	sne.s32 s18, s7;
	[sflag:s19] =	ssyncset.done @p1 $0x0  }
.Ltmp1:
0x24: {  	[sflag:s19] =	ssyncadd.s32 @p1 $0xFFFFF060;
	s19 =	simm.s32 @!p1 $0x1;
	(pc) =	sbr.rel @!p2 .LBB2_9-.Ltmp1, $4  }
0x25: {  	[hbm:s5], [sflag:s13] =	dma.local @!p1 [spmem:s17], $0x1900  }
0x26: {  	_ =	swait.ge @!p1 [sflag:s19], $0x1900  }
0x27: {  	[sflag:s19] =	ssyncset.done @!p1 $0x0  }
0x28: {  	[sflag:s19] =	ssyncadd.s32 @!p1 $0xFFFFE700  }
.LBB2_1:
0x29: {  	s19 =	simm.s32 @p1 $0x1FC1  }
0x2a: {  	[spmem:s12], [sflag:s19] =	dma.local @p1 [hbm:s2], $0xFA0  }
0x2b: {  	s19 =	simm.s32 @p1 $0x1  }
0x2c: {  	_ =	swait.ge @p1 [sflag:s19], $0xFA0  }
0x2d: {  	[sflag:s19] =	ssyncset.done @p1 $0x0  }
0x2e: {  	[sflag:s19] =	ssyncadd.s32 @p1 $0xFFFFF060;
	s19 =	simm.s32 @!p1 $0x1  }
0x2f: {  	[spmem:s14], [sflag:s13] =	dma.local @!p1 [hbm:s2], $0x1900  }
.Ltmp2:
0x30: {  	_ =	swait.ge @!p1 [sflag:s19], $0x1900;
	(pc) =	sbr.rel @!p0 .LBB2_2-.Ltmp2, $3  }
0x31: {  	[sflag:s19] =	ssyncset.done @!p1 $0x0  }
0x32: {  	[sflag:s19] =	ssyncadd.s32 @!p1 $0xFFFFE700  }
0x33: {  	[bflag:$0x0] =	sbarrier.arrive $0xFFFF;
	_ =	sdelay $0x1  }
0x34: {  	s19 =	sadd.s32 $0x0, s11  }
0x35: {  	[tilespmem:s4], [sflag:$0x1] =	stream.linear.gather [hbm4b:s19+s4], $0x7D0, $0x38;
	[tilespmem:$0x14820] =	vst v63  }
0x36: {  	_ =	swait.ge [sflag:s15], $0x7D0  }
0x37: {  	[sflag:s15] =	ssyncset.done $0x0  }
0x38: {  	[sflag:s15] =	ssyncadd.s32 $0xFFFFF830  }
0x39: {  	[tilespmem:s16], [sflag:$0x1] =	stream.linear.gather [hbm4b:s10+s4], $0x7D00, $0x38;
	[tilespmem:$0x14820] =	vst v63  }
0x3a: {  	_ =	swait.ge [sflag:s15], $0x7D00  }
0x3b: {  	[sflag:s15] =	ssyncset.done $0x0  }
0x3c: {  	[sflag:s15] =	ssyncadd.s32 $0xFFFF8300  }
0x3d: {  	[spmem:s3] =	stream.indirect.scatter.add.f32 [tilespmem:s16], [sflag:$0x1], $0x10, s4, s16, $0xb8;
	[tilespmem:$0x14820] =	vst v63  }
0x3e: {  	s20 =	simm.s32 $0xFA;
	_ =	swait.ge [sflag:s15], $0x7D00  }
0x3f: {  	s21 =	simm.s32 $0x1F4;
	s19 =	sadd.s32 $0xFA0, s10;
	[sflag:s15] =	ssyncset.done $0x0  }
.LBB2_6:
0x40: {  	s22 =	sadd.s32 s20, s11  }
0x41: {  	[sflag:s15] =	ssyncadd.s32 $0xFFFF8300;
	s20 =	smov.u32 s21;
	s23 =	sadd.s32 $0xFA, s21  }
0x42: {  	[tilespmem:s4], [sflag:$0x1] =	stream.linear.gather [hbm4b:s22+s4], $0x7D0, $0x38;
	[tilespmem:$0x14820] =	vst v63  }
0x43: {  	p2 =	sne.s32 s21, $0x1770;
	_ =	swait.ge [sflag:s15], $0x7D0  }
0x44: {  	[sflag:s15] =	ssyncset.done $0x0  }
0x45: {  	[sflag:s15] =	ssyncadd.s32 $0xFFFFF830  }
0x46: {  	[tilespmem:s16], [sflag:$0x1] =	stream.linear.gather [hbm4b:s19+s4], $0x7D00, $0x38;
	[tilespmem:$0x14820] =	vst v63  }
0x47: {  	_ =	swait.ge [sflag:s15], $0x7D00  }
.Ltmp3:
0x48: {  	[sflag:s15] =	ssyncset.done $0x0;
	(pc) =	sbr.rel @p2 .LBB2_6-.Ltmp3, $4  }
0x49: {  	[sflag:s15] =	ssyncadd.s32 $0xFFFF8300  }
0x4a: {  	[spmem:s3] =	stream.indirect.scatter.add.f32 [tilespmem:s16], [sflag:$0x1], $0x10, s4, s16, $0xb8;
	[tilespmem:$0x14820] =	vst v63  }
0x4b: {  	_ =	swait.ge [sflag:s15], $0x7D00  }
0x4c: {  	s21 =	smov.u32 s23;
	s19 =	sadd.s32 $0xFA0, s19;
	[sflag:s15] =	ssyncset.done $0x0  }
.Ltmp4:
0x4d: {  	_ = 	snop;
	(pc) =	sbr.rel .LBB2_7-.Ltmp4, $1  }
0x4e: {  	_ =	sdelay $0x3  }
.LBB2_2:
0x4f: {  	s19 =	sadd.s32 $0x0, s9  }
0x50: {  	[tilespmem:s4], [sflag:$0x1] =	stream.linear.gather [hbm4b:s19+s4], $0x7D0, $0x38;
	[tilespmem:$0x14820] =	vst v63  }
0x51: {  	_ =	swait.ge [sflag:s15], $0x7D0  }
0x52: {  	[sflag:s15] =	ssyncset.done $0x0  }
0x53: {  	[sflag:s15] =	ssyncadd.s32 $0xFFFFF830  }
0x54: {  	[tilespmem:s16], [sflag:$0x1] =	stream.linear.gather [hbm4b:s8+s4], $0x7D00, $0x38;
	[tilespmem:$0x14820] =	vst v63  }
0x55: {  	_ =	swait.ge [sflag:s15], $0x7D00  }
0x56: {  	[sflag:s15] =	ssyncset.done $0x0  }
0x57: {  	[sflag:s15] =	ssyncadd.s32 $0xFFFF8300  }
0x58: {  	[spmem:s3] =	stream.indirect.scatter.add.f32 [tilespmem:s16], [sflag:$0x1], $0x10, s4, s16, $0xb8;
	[tilespmem:$0x14820] =	vst v63  }
0x59: {  	s20 =	simm.s32 $0xFA;
	_ =	swait.ge [sflag:s15], $0x7D00  }
0x5a: {  	s21 =	simm.s32 $0x1F4;
	s19 =	sadd.s32 $0xFA0, s8;
	[sflag:s15] =	ssyncset.done $0x0  }
.LBB2_3:
0x5b: {  	s22 =	sadd.s32 s20, s9  }
0x5c: {  	[sflag:s15] =	ssyncadd.s32 $0xFFFF8300;
	s20 =	smov.u32 s21;
	s23 =	sadd.s32 $0xFA, s21  }
0x5d: {  	[tilespmem:s4], [sflag:$0x1] =	stream.linear.gather [hbm4b:s22+s4], $0x7D0, $0x38;
	[tilespmem:$0x14820] =	vst v63  }
0x5e: {  	p2 =	seq.s32 s21, $0x1770;
	_ =	swait.ge [sflag:s15], $0x7D0  }
0x5f: {  	[sflag:s15] =	ssyncset.done $0x0  }
0x60: {  	[sflag:s15] =	ssyncadd.s32 $0xFFFFF830  }
0x61: {  	[tilespmem:s16], [sflag:$0x1] =	stream.linear.gather [hbm4b:s19+s4], $0x7D00, $0x38;
	[tilespmem:$0x14820] =	vst v63  }
0x62: {  	_ =	swait.ge [sflag:s15], $0x7D00  }
.Ltmp5:
0x63: {  	[sflag:s15] =	ssyncset.done $0x0;
	(pc) =	sbr.rel @!p2 .LBB2_3-.Ltmp5, $4  }
0x64: {  	[sflag:s15] =	ssyncadd.s32 $0xFFFF8300  }
0x65: {  	[spmem:s3] =	stream.indirect.scatter.add.f32 [tilespmem:s16], [sflag:$0x1], $0x10, s4, s16, $0xb8;
	[tilespmem:$0x14820] =	vst v63  }
0x66: {  	_ =	swait.ge [sflag:s15], $0x7D00  }
0x67: {  	s21 =	smov.u32 s23;
	s19 =	sadd.s32 $0xFA0, s19;
	[sflag:s15] =	ssyncset.done $0x0  }
0x68: {  	s20 =	sadd.s32 s20, s9;
	[sflag:s15] =	ssyncadd.s32 $0xFFFF8300  }
0x69: {  	[tilespmem:s4], [sflag:$0x1] =	stream.linear.gather [hbm4b:s20+s4], $0x7D0, $0x38;
	[tilespmem:$0x14820] =	vst v63  }
0x6a: {  	_ =	swait.ge [sflag:s15], $0x7D0  }
0x6b: {  	[sflag:s15] =	ssyncset.done $0x0  }
0x6c: {  	[sflag:s15] =	ssyncadd.s32 $0xFFFFF830  }
0x6d: {  	[tilespmem:s16], [sflag:$0x1] =	stream.linear.gather [hbm4b:s19+s4], $0x7D00, $0x38;
	[tilespmem:$0x14820] =	vst v63  }
0x6e: {  	_ =	swait.ge [sflag:s15], $0x7D00  }
0x6f: {  	[sflag:s15] =	ssyncset.done $0x0  }
.Ltmp6:
0x70: {  	[sflag:s15] =	ssyncadd.s32 $0xFFFF8300;
	(pc) =	sbr.rel .LBB2_8-.Ltmp6, $4  }
0x71: {  	[spmem:s3] =	stream.indirect.scatter.add.f32 [tilespmem:s16], [sflag:$0x1], $0x10, s4, s16, $0xb8;
	[tilespmem:$0x14820] =	vst v63  }
0x72: {  	_ =	swait.ge [sflag:s15], $0x7D00  }
0x73: {  	[sflag:s15] =	ssyncset.done $0x0  }
0x74: {  	[sflag:s15] =	ssyncadd.s32 $0xFFFF8300  }
.LBB2_9:
0x75: {  	_ =	sfence.sel $0x180000  }
0x76: {  	[bflag:$0x0] =	sbarrier.arrive $0xFFFF  }
0x77: {  	p0 =	sne.s32 s1, $0x0;
	_ =	strace $0x9000004A  }
0x78: {  	s0 =	sadd.s32 @!p0 $0x100000, s0;
	[bflag:$0x2] =	sbarrier.arrive $0xFFFF  }
0x79: {  	[sflag:s0] =	ssyncadd.tile.s32 @!p0 $0x1;
	_ =	shalt  }
.Lfunc_end2:
_tile_overlayer_lowered:
.L_overlay_start_2:
0x7a: {  	(tag) =	ssettag $0x2  }
0x7b: {  	s0 =	rddreg [dreg:$0x0];
	s2 =	stileid.u32  }
0x7c: {  	s1 =	rddreg [dreg:$0x1];
	p0 =	sne.s32 s2, $0x0  }
0x7d: {  	s3 =	rddreg [dreg:$0x2];
	[bflag:$0x3] =	sbarrier.arrive $0xFFFF;
	s2 =	simm.s32 @!p0 $0x1C01  }
0x7e: {  	[timem:s3], [sflag:s2] =	dma.local @!p0 [hbm:s0], s1  }
0x7f: {  	s0 =	simm.s32 @!p0 $0x1  }
0x80: {  	_ =	swait.ge @!p0 [sflag:s0], s1  }
0x81: {  	s1 =	ssub.s32 @!p0 $0x0, s1;
	[sflag:s0] =	ssyncset.done @!p0 $0x0  }
0x82: {  	[sflag:s0] =	ssyncadd.s32 @!p0 s1  }
0x83: {  	[bflag:$0x3] =	sbarrier.arrive $0xFFFF  }
0x84: {  	_ =	shalt  }

// kernel: sparse-core-data-format-call.cloned.1.call-start
scs
called_computation_lowered:
.L_overlay_start_0:
0x0: {  	s2 =	sld [smem:$0x3FD9]  }
0x1: {  	s3 =	sld [smem:$0x3FFE];
	_ =	sdelay $0x1  }
0x2: {  	s1 =	srdreg.scid  }
0x3: {  	s0 =	sand.u32 $0x1, s1  }
0x4: {  	s16 =	sshll.u32 s0, $0xA;
	s2 =	sadd.s32 s3, s2  }
0x5: {  	s2 =	sadd.s32 s2, s16  }
0x6: {  	[smem:$0x3FB9] =	sst s2  }
0x7: {  	_ = 	snop  }
0x8: {  	s2 =	sld [smem:$0x3FD0];
	_ =	sdelay $0x2  }
0x9: {  	s17 =	simm.s32 $0xB;
	s4 =	simm.s32 $0x10  }
0xa: {  	[smem:s4], [sflag:s17] =	dma.local [hbm:s2], $0x1  }
0xb: {  	_ =	swait.eq [sflag:s17], $0x1  }
0xc: {  	[sflag:s17] =	ssyncset.done $0x0  }
0xd: {  	[sflag:s17] =	ssyncadd.s32 $0xFFFFFFFF  }
0xe: {  	s18 =	sld [smem:$0x11];
	(tm) =	ssettm $0x1  }
0xf: {  	s19 =	sld [smem:$0x3FFB];
	_ =	sdelay $0x3  }
0x10: {  	_ =	strace s19  }
0x11: {  	s2 =	sld [smem:$0x3FFC];
	_ =	sdelay $0x3  }
0x12: {  	_ =	strace s2  }
0x13: {  	s2 =	sld [smem:$0x3FFD];
	_ =	sdelay $0x3  }
0x14: {  	_ =	strace s2  }
0x15: {  	_ =	strace $0x8FFFFFFF  }
0x16: {  	s20 =	sld [smem:$0x3FDB];
	_ =	sdelay $0x1  }
0x17: {  	s21 =	simm.s32 $_scs_section_size  }
0x18: {  	s5 =	simm.s32 $_size__tile_overlayer_lowered;
	s6 =	simm.s32 $_tile_overlayer_lowered  }
0x19: {  	s7 =	simm.s32 $0x1BFF;
	s22 =	sshll.u32 s6, $0x1;
	s4 =	sadd.s32 s21, s20  }
0x1a: {  	s23 =	simm.s32 $0x0;
	s5 =	sshll.u32 s5, $0x1;
	s6 =	sadd.s32 s22, s4  }
0x1b: {  	[timem:s23], [sflag:s7] =	dma.local [hbm:s6], s5  }
0x1c: {  	_ =	swait.ge [sflag:s7], s5  }
0x1d: {  	s5 =	ssub.s32 $0x0, s5;
	[sflag:s7] =	ssyncset.done $0x0  }
0x1e: {  	[sflag:s7] =	ssyncadd.s32 s5;
	_ =	sdelay $0x1  }
0x1f: {  	s24 =	simm.s32 $0x1B8B  }
0x20: {  	_ =	swait.ge [sflag:s24], $0x1  }
0x21: {  	[sflag:s24] =	ssyncset.done $0x0  }
0x22: {  	[sflag:s24] =	ssyncadd.s32 $0xFFFFFFFF  }
0x23: {  	s5 =	sld [smem:$0x0]  }
0x24: {  	s6 =	sand.u32 $0xFFFFFFFE, s1  }
0x25: {  	p0 =	sne.s32 s1, s6  }
0x26: {  	s6 =	sshll.u32 @p0 s6, $0xE  }
0x27: {  	s6 =	sadd.s32 @p0 $0x11B8D, s6;
	s7 =	sshll.u32 @p0 s5, $0x11  }
0x28: {  	s6 =	sor.u32 @p0 s7, s6  }
0x29: {  	[sflag:s6] =	ssyncadd.remote.s32 @p0 $0x1;
	_ =	sdelay $0x1  }
0x2a: {  	s6 =	simm.s32 @p0 $0x1B8D  }
0x2b: {  	_ =	swait.eq @p0 [sflag:s6], $0x1  }
0x2c: {  	[sflag:s6] =	ssyncadd.s32 @p0 $0xFFFFFFFF  }
0x2d: {  	s7 =	sshll.u32 @!p0 s1, $0xE  }
0x2e: {  	s7 =	sor.u32 @!p0 $0x4000, s7;
	s6 =	simm.s32 @!p0 $0x1B8D  }
0x2f: {  	s5 =	sshll.u32 @!p0 s5, $0x11;
	s7 =	sadd.s32 @!p0 $0x11B8D, s7;
	_ =	swait.eq @!p0 [sflag:s6], $0x1  }
0x30: {  	s5 =	sor.u32 @!p0 s5, s7;
	[sflag:s6] =	ssyncadd.s32 @!p0 $0xFFFFFFFF  }
0x31: {  	s26 =	simm.s32 $0x1B8E;
	s25 =	sld [smem:$0x3FFE];
	[sflag:s5] =	ssyncadd.remote.s32 @!p0 $0x1  }
0x32: {  	s27 =	simm.s32 $execute0_lowered;
	[smem:$0x3FD2] =	sst s26  }
0x33: {  	s6 =	sshll.u32 s27, $0x1;
	_ =	strace $0x8000004C;
	[dreg:$0x1] =	wrdreg $0xFFFFFFFF  }
0x34: {  	s28 =	simm.s32 $_size_execute0_lowered;
	s4 =	sadd.s32 s4, s6;
	[dreg:$0x0] =	wrdreg $0x0  }
0x35: {  	s6 =	sshll.u32 s28, $0x1;
	[dreg:$0x2] =	wrdreg s4  }
0x36: {  	[dreg:$0x3] =	wrdreg s6  }
0x37: {  	[dreg:$0x4] =	wrdreg $0xC0  }
0x38: {  	_ =	task [dreg:s23], $0x5FFFF  }
0x39: {  	[dreg:$0x1] =	wrdreg $0xFFFFFFFF  }
0x3a: {  	[dreg:$0x0] =	wrdreg $0x60  }
0x3b: {  	[dreg:$0x2] =	wrdreg s25  }
0x3c: {  	[dreg:$0x3] =	wrdreg s18  }
0x3d: {  	[dreg:$0x4] =	wrdreg $0x9  }
0x3e: {  	_ =	task.clear_ibuf [dreg:s23], $0x5FFFF;
	_ =	strace $0x9000004C  }
0x3f: {  	s29 =	simm.s32 $0x9;
	_ =	strace $0x8000004E  }
0x40: {  	_ =	swait.ge [sflag:s29], $0x1  }
0x41: {  	[sflag:s29] =	ssyncadd.s32 $0xFFFFFFFF  }
0x42: {  	_ =	strace $0x9000004E  }
0x43: {  	_ =	sfence  }
0x44: {  	s30 =	sld [smem:$0x0];
	_ =	sdelay $0x2  }
0x45: {  	s31 =	sshll.u32 s1, $0xD;
	s1 =	sshrl.u32 s1, $0x2  }
0x46: {  	s4 =	sand.u32 $0x4000, s31;
	s1 =	sadd.s32 s1, s30  }
0x47: {  	s0 =	sor.u32 s4, s0;
	s1 =	sshll.u32 s1, $0x11  }
0x48: {  	s0 =	sor.u32 s1, s0  }
0x49: {  	s0 =	sadd.s32 $0x8F2B, s0  }
0x4a: {  	[sflag:s0] =	ssyncadd.remote.s32 $0x1  }
0x4b: {  	_ =	sfence.sel $0xFFFF  }
0x4c: {  	[dreg:$0x0] =	wrdreg $0xFFFFFFFF;
	(pc) =	sbr.abs _section_cstart, $3  }
0x4d: {  	[dreg:$0x1] =	wrdreg $0xFFFFFFFF  }
0x4e: {  	_ =	task.clear_ibuf [dreg:s23], $0x2FFFF;
	_ =	strace $0x9FFFFFFF  }
0x4f: {  	(tm) =	ssettm $0x7FFFFFFF  }
tec
execute0_lowered:
.L_overlay_start_1:
0x0: {  	(tag) =	ssettag $0x1  }
0x1: {  	s0 =	srdreg.scid  }
0x2: {  	s1 =	sshll.u32 s0, $0x4  }
0x3: {  	s4 =	rddreg [dreg:$0x0];
	s0 =	stileid.u32;
	s1 =	sand.u32 $0x10, s1  }
0x4: {  	s2 =	rddreg [dreg:$0x1];
	s7 =	simm.s32 $0x1;
	s1 =	sor.u32 s0, s1  }
0x5: {  	s8 =	simm.s32 $0x2;
	s11 =	simm.s32 $0x0;
	s3 =	sshll.u32 s1, $0x7  }
0x6: {  	s10 =	simm.s32 $0x0;
	s4 =	sadd.s32 $0x8ADE00, s4;
	s6 =	ssub.s32 $0xC3500, s3  }
.Ltmp0:
0x7: {  	s1 =	rddreg [dreg:$0x2];
	s5 =	sand.u32 $0xF80, s6;
	(pc) =	sbr.rel .LBB1_1-.Ltmp0, $4  }
0x8: {  	_ =	strace $0x8000004D;
	s9 =	smov.u32 s3;
	p0 =	sne.s32 s5, $0x0  }
0x9: {  	s6 =	sshrl.u32 s6, $0xC;
	s5 =	simm.s32 $0x1;
	s7 =	simm.s32 @!p0 $0x0  }
0xa: {  	[sflag:s5] =	ssyncpa.u1 $0x0;
	p0 =	por $0x0, $0x0;
	s6 =	sadd.s32 s7, s6  }
0xb: {  	[sflag:s8] =	ssyncpa.u1 $0x0;
	s8 =	simm.s32 $0x61A800;
	s7 =	sadd.s32 $0x1, s6  }
.LBB1_4:
0xc: {  	s14 =	sshll.u32 s11, $0x3  }
0xd: {  	s14 =	sand.u32 $0xFFFFFC00, s14  }
0xe: {  	s15 =	sshrl.u32 s14, $0x8  }
0xf: {  	s15 =	smulhi.u32 $0x14F8B59, s15;
	_ =	sdelay $0x1  }
0x10: {  	s15 =	sshrl.u32 s15, $0x4  }
0x11: {  	s28 =	sand.u32 $0x7F, s11;
	s16 =	smul.u32 $0xC3500, s15  }
0x12: {  	[tilespmem:s12+$0xFFFFFFFC ss:$0x81] =	vst.msk $0xffff, v0;
	s11 =	sor.u32 s28, s14  }
0x13: {  	[tilespmem:s12+$0xFFFFFFFD ss:$0x81] =	vst.msk $0xffff, v3;
	s29 =	sand.u32 $0xF, s15;
	s11 =	ssub.s32 s11, s16  }
0x14: {  	[tilespmem:s12+$0xFFFFFFFE ss:$0x81] =	vst.msk $0xffff, v1;
	s14 =	smul.u32 $0x186A0, s29;
	s30 =	sshrl.u32 s11, $0x3;
	s11 =	sand.u32 $0x7, s11  }
0x15: {  	[tilespmem:s12+$0xFFFFFFFF ss:$0x81] =	vst.msk $0xffff, v4;
	s15 =	sadd.s32 s2, s30;
	s11 =	sshll.u32 s11, $0x12  }
0x16: {  	[tilespmem:s12+$0xFFFFFFF9 ss:$0x81] =	vst.msk $0xffff, v2;
	s31 =	sadd.s32 s14, s15;
	s11 =	sor.u32 $0x400, s11  }
0x17: {  	[hbm4b:s31+s11] =	stream.strided.scatter [tilespmem:s13], [sflag:$0x2], $0x800, s8, s11, $0x20;
	[tilespmem:$0x2020] =	vst v63  }
.LBB1_5:
0x18: {  	s13 =	sadd.s32 $0x1000, s9  }
0x19: {  	p2 =	sgt.s32 s13, $0xC34FF  }
0x1a: {  	s13 =	smov.u32 @p2 s3;
	p2 =	sne.s32 s10, s7  }
.Ltmp1:
0x1b: {  	p1 =	slt.u32 s10, $0x2;
	(pc) =	sbr.rel @!p2 .LBB1_6-.Ltmp1, $4  }
0x1c: {  	s12 =	simm.s32 @!p1 $0x2  }
0x1d: {  	s14 =	sadd.s32 $0x1, s10;
	_ =	swait.ge @!p1 [sflag:s12], $0x800  }
0x1e: {  	s11 =	smov.u32 s9;
	p0 =	por !p0, !p0;
	[sflag:s12] =	ssyncset.done @!p1 $0x0  }
0x1f: {  	s10 =	smov.u32 s14;
	s9 =	smov.u32 s13;
	[sflag:s12] =	ssyncadd.s32 @!p1 $0xFFFFF800  }
.LBB1_1:
0x20: {  	p1 =	sge.u32 s10, s6  }
0x21: {  	s12 =	sand.u32 @!p1 $0x1FFFFFF, s9  }
0x22: {  	s13 =	smulhi.u32 @!p1 $0x14F8B59, s12;
	_ =	sdelay $0x1  }
0x23: {  	s13 =	sshrl.u32 @!p1 s13, $0xC  }
0x24: {  	s13 =	smul.u32 @!p1 $0xC3500, s13;
	_ =	sdelay $0x1  }
0x25: {  	s31 =	sadd.s32 $0xFFFFFFFF, s10;
	s14 =	sxor.u32 @!p1 $0xFFFFFFFF, s10;
	s12 =	ssub.s32 @!p1 s12, s13  }
0x26: {  	s15 =	simm.s32 @!p1 $0x80;
	s14 =	sshll.u32 @!p1 s14, $0xB;
	s12 =	sshll.u32 @!p1 s12, $0x4  }
0x27: {  	s13 =	sand.u32 @!p1 $0x800, s14;
	s14 =	simm.s32 @!p1 $0x10;
	s12 =	sadd.s32 @!p1 s4, s12  }
0x28: {  	[tilespmem:s13], [sflag:$0x1] =	stream.strided.gather @!p1 [hbm4b:s12+s14], $0x800, s15, s14, $0x38;
	[tilespmem:$0x2020] =	vst v63  }
0x29: {  	p1 =	sge.u32 s31, s6  }
.Ltmp2:
0x2a: {  	_ = 	snop;
	(pc) =	sbr.rel @p1 .LBB1_5-.Ltmp2, $1  }
0x2b: {  	_ =	sdelay $0x3  }
0x2c: {  	s12 =	simm.s32 $0x1  }
0x2d: {  	_ =	swait.ge [sflag:s5], $0x800;
	s12 =	simm.s32 @!p0 $0x0  }
0x2e: {  	[sflag:s5] =	ssyncset.done $0x0;
	s13 =	sshll.u32 s12, $0xB  }
0x2f: {  	[sflag:s5] =	ssyncadd.s32 $0xFFFFF800;
	s15 =	sor.u32 $0x40, s13  }
0x30: {  	v2 =	vld [tilespmem:s15+$0x30]  }
0x31: {  	s12 =	smul.u32 $0x2040, s12;
	v4 =	vld [tilespmem:s15+$0xFFFFFFD0]  }
0x32: {  	v5 =	vld [tilespmem:s15+$0xFFFFFFE0]  }
0x33: {  	s31 =	sand.u32 $0x1, s10;
	s12 =	sshrl.u32 s12, $0x2;
	v0 =	vld [tilespmem:s15+$0xFFFFFFF0]  }
0x34: {  	s13 =	smul.u32 $0x2040, s31;
	v3 =	vld [tilespmem:s15+$0x0];
	s12 =	sor.u32 $0x1007, s12  }
0x35: {  	v1 =	vld [tilespmem:s15+$0x10];
	[tilespmem:s12+$0x0 ss:$0x81] =	vst.msk $0xffff, v2  }
0x36: {  	s13 =	sshrl.u32 s13, $0x2;
	[tilespmem:s12+$0xFFFFFFFA ss:$0x81] =	vst.msk $0xffff, v4;
	v4 =	vld [tilespmem:s15+$0x20]  }
0x37: {  	s14 =	simm.s32 $0x0;
	s13 =	sor.u32 $0x1000, s13;
	v2 =	vld [tilespmem:s15+$0xFFFFFFC0];
	[tilespmem:s12+$0xFFFFFFFB ss:$0x81] =	vst.msk $0xffff, v5;
	s15 =	sadd.s32 $0x80, s15  }
.LBB1_3:
0x38: {  	v5 =	vld [tilespmem:s15+$0x30];
	s14 =	sadd.s32 $0x8, s14;
	[tilespmem:s12+$0xFFFFFFFC ss:$0x81] =	vst.msk $0xffff, v0  }
0x39: {  	v6 =	vld [tilespmem:s15+$0xFFFFFFD0];
	p1 =	slt.u32 s14, $0x78;
	[tilespmem:s12+$0xFFFFFFFD ss:$0x81] =	vst.msk $0xffff, v3  }
0x3a: {  	v7 =	vld [tilespmem:s15+$0xFFFFFFE0];
	[tilespmem:s12+$0xFFFFFFFE ss:$0x81] =	vst.msk $0xffff, v1  }
.Ltmp3:
0x3b: {  	v0 =	vld [tilespmem:s15+$0xFFFFFFF0];
	[tilespmem:s12+$0xFFFFFFFF ss:$0x81] =	vst.msk $0xffff, v4;
	(pc) =	sbr.rel @p1 .LBB1_3-.Ltmp3, $4  }
0x3c: {  	v3 =	vld [tilespmem:s15+$0x0];
	[tilespmem:s12+$0xFFFFFFF9 ss:$0x81] =	vst.msk $0xffff, v2;
	s12 =	sadd.s32 $0x8, s12  }
0x3d: {  	v1 =	vld [tilespmem:s15+$0x10];
	[tilespmem:s12+$0x0 ss:$0x81] =	vst.msk $0xffff, v5  }
0x3e: {  	[tilespmem:s12+$0xFFFFFFFA ss:$0x81] =	vst.msk $0xffff, v6;
	v4 =	vld [tilespmem:s15+$0x20]  }
0x3f: {  	v2 =	vld [tilespmem:s15+$0xFFFFFFC0];
	[tilespmem:s12+$0xFFFFFFFB ss:$0x81] =	vst.msk $0xffff, v7;
	s15 =	sadd.s32 $0x80, s15  }
.Ltmp4:
0x40: {  	_ = 	snop;
	(pc) =	sbr.rel .LBB1_4-.Ltmp4, $1  }
0x41: {  	_ =	sdelay $0x3  }
.LBB1_6:
0x42: {  	_ =	sfence.sel $0x180000  }
0x43: {  	s2 =	simm.s32 $0x1;
	[bflag:$0x0] =	sbarrier.arrive $0xFFFF  }
0x44: {  	s31 =	simm.s32 $0x2;
	[sflag:s2] =	ssyncpa.u1 $0x1  }
0x45: {  	[sflag:s31] =	ssyncpa.u1 $0x1  }
0x46: {  	p0 =	sne.s32 s0, $0x0;
	_ =	strace $0x9000004D  }
0x47: {  	s0 =	sadd.s32 @!p0 $0x100000, s1;
	[bflag:$0x2] =	sbarrier.arrive $0xFFFF  }
0x48: {  	[sflag:s0] =	ssyncadd.tile.s32 @!p0 $0x1;
	_ =	shalt  }
.Lfunc_end1:
_tile_overlayer_lowered:
.L_overlay_start_2:
0x49: {  	(tag) =	ssettag $0x2  }
0x4a: {  	s0 =	rddreg [dreg:$0x0];
	s2 =	stileid.u32  }
0x4b: {  	s1 =	rddreg [dreg:$0x1];
	p0 =	sne.s32 s2, $0x0  }
0x4c: {  	s3 =	rddreg [dreg:$0x2];
	[bflag:$0x3] =	sbarrier.arrive $0xFFFF;
	s2 =	simm.s32 @!p0 $0x1C01  }
0x4d: {  	[timem:s3], [sflag:s2] =	dma.local @!p0 [hbm:s0], s1  }
0x4e: {  	s0 =	simm.s32 @!p0 $0x1  }
0x4f: {  	_ =	swait.ge @!p0 [sflag:s0], s1  }
0x50: {  	s1 =	ssub.s32 @!p0 $0x0, s1;
	[sflag:s0] =	ssyncset.done @!p0 $0x0  }
0x51: {  	[sflag:s0] =	ssyncadd.s32 @!p0 s1  }
0x52: {  	[bflag:$0x3] =	sbarrier.arrive $0xFFFF  }
0x53: {  	_ =	shalt  }

</sc_bundles>
